<compile_context>
chip_gen: v7x
topology: tpu7x:2x2x1
jax: 0.10.2.dev20260603
libtpu: 0.0.44.dev20260713+nightly
codegen_flags: <defaults>
</compile_context>

<pallas_src>
import functools

import jax
import jax.numpy as jnp
from jax import lax
from jax.experimental import pallas as pl
from jax.experimental.pallas import tpu as pltpu
from jax.experimental.pallas import tpu_sc as plsc

_LANES = 16
_BI = 128
_CI = 8
_NBUF = 2


def _embed_kernel(seq_len, d, n_jb, scale):
    mesh = plsc.VectorSubcoreMesh(core_axis_name="c", subcore_axis_name="s")
    n_jc = d // _CI

    @functools.partial(
        pl.kernel,
        mesh=mesh,
        out_type=jax.ShapeDtypeStruct((seq_len, n_jc, n_jb, _CI, _BI), jnp.float32),
        scratch_types=[
            pltpu.VMEM((seq_len, _BI), jnp.int32),
            [pltpu.VMEM((_BI, d), jnp.float32)] * _NBUF,
            [pltpu.VMEM((d, _BI + 1), jnp.float32)] * _NBUF,
            [pltpu.SemaphoreType.DMA] * _NBUF,
            [pltpu.SemaphoreType.DMA] * _NBUF,
        ],
        compiler_params=pltpu.CompilerParams(
            use_tc_tiling_on_sc=False, needs_layout_passes=False
        ),
    )
    def run(table_hbm, idx_hbm, out_hbm, idx_v, gb, ob, sg, so):
        cid = lax.axis_index("c")
        sid = lax.axis_index("s")
        w = sid * 2 + cid
        pltpu.sync_copy(idx_hbm.at[:, w], idx_v)

        iota = jnp.arange(_LANES, dtype=jnp.int32)

        for b in range(_NBUF):
            pltpu.async_copy(table_hbm.at[idx_v.at[b]], gb[b], sg[b])

        def group_body(p, carry):
            for b in range(_NBUF):
                j = p * _NBUF + b
                pltpu.make_async_copy(
                    table_hbm.at[pl.ds(0, _BI)], gb[b], sg[b]
                ).wait()

                @pl.when(p > 0)
                def _():
                    for jc in range(n_jc):
                        pltpu.make_async_copy(
                            ob[b].at[pl.ds(jc * _CI, _CI), pl.ds(0, _BI)],
                            out_hbm.at[0, jc, w],
                            so[b],
                        ).wait()

                @plsc.parallel_loop(0, _BI, unroll=2)
                def _(t):
                    t_vec = jnp.broadcast_to(t, (_LANES,))
                    for k in range(d // _LANES):
                        c_idx = iota + (k * _LANES)
                        v = gb[b][t, pl.ds(k * _LANES, _LANES)] * scale
                        plsc.store_scatter(ob[b], [c_idx, t_vec], v)

                for jc in range(n_jc):
                    pltpu.async_copy(
                        ob[b].at[pl.ds(jc * _CI, _CI), pl.ds(0, _BI)],
                        out_hbm.at[j, jc, w],
                        so[b],
                    )

                @pl.when(j + _NBUF < seq_len)
                def _():
                    pltpu.async_copy(
                        table_hbm.at[idx_v.at[j + _NBUF]], gb[b], sg[b]
                    )

            return carry

        lax.fori_loop(0, seq_len // _NBUF, group_body, 0)

        for b in range(_NBUF):
            for jc in range(n_jc):
                pltpu.make_async_copy(
                    ob[b].at[pl.ds(jc * _CI, _CI), pl.ds(0, _BI)],
                    out_hbm.at[0, jc, w],
                    so[b],
                ).wait()

    return run


def kernel(table, x):
    v, d = table.shape
    bsz, seq_len = x.shape
    n_jb = bsz // _BI
    scale = float(d) ** -0.5

    idx = x.T.reshape(seq_len, n_jb, _BI)
    out5 = _embed_kernel(seq_len, d, n_jb, scale)(table, idx)
    out = out5.transpose(2, 4, 0, 1, 3).reshape(bsz, seq_len, d)
    return out

# --- scband reference (transcript-rebuilt; emitter-appended) ---
"""Pipeline reference for scband-token-embedding-45346264711440 (READ-ONLY COPY).

The authoritative reference and input builder live on the scoring server;
editing this copy changes nothing except your own understanding.
"""

import jax, jax.numpy as jnp
import numpy as np

VOCAB = 1000000
HIDDEN = 64
B = 4096
L = 200

def setup_inputs(seed: int = 0) -> dict:
    key = jax.random.key(seed)
    k1, k2 = jax.random.split(key)
    x = jax.random.randint(k1, (B, L), 0, VOCAB, dtype=jnp.int32)
    table = jax.random.normal(k2, (VOCAB, HIDDEN), dtype=jnp.float32) * 0.02
    # padding_idx=0: embedding row 0 is zeros
    table = table.at[0].set(0.0)
    return {"table": table, "x": x}

def reference(table, x):
    # TokenEmbedding.forward: embed(x) * rsqrt(hidden_size)
    emb = jnp.take(table, x, axis=0)
    scale = jax.lax.rsqrt(jnp.float32(HIDDEN))
    return emb * scale

if __name__ == "__main__":
    import jax
    _d = setup_inputs()
    print(jax.jit(kernel)(*tuple(_d.values())))

</pallas_src>

<mosaic_0001>
#map = affine_map<(d0, d1) -> (0, 0)>
#map1 = affine_map<(d0, d1) -> (0, 0, 0)>
#map2 = affine_map<(d0, d1) -> (0, 0, 0, 0, 0)>
module attributes {stable_mosaic.version = 14 : i64} {
  func.func @run(%arg0: i32, %arg1: i32, %arg2: memref<1000000x64xf32, #tpu.memory_space<hbm>>, %arg3: memref<200x32x128xi32, #tpu.memory_space<hbm>>, %arg4: memref<200x8x32x8x128xf32, #tpu.memory_space<hbm>>, %arg5: memref<200x128xi32, #tpu.memory_space<vmem>>, %arg6: memref<128x64xf32, #tpu.memory_space<vmem>>, %arg7: memref<128x64xf32, #tpu.memory_space<vmem>>, %arg8: memref<64x129xf32, #tpu.memory_space<vmem>>, %arg9: memref<64x129xf32, #tpu.memory_space<vmem>>, %arg10: memref<!tpu.dma_semaphore, #tpu.memory_space<semaphore_mem>>, %arg11: memref<!tpu.dma_semaphore, #tpu.memory_space<semaphore_mem>>, %arg12: memref<!tpu.dma_semaphore, #tpu.memory_space<semaphore_mem>>, %arg13: memref<!tpu.dma_semaphore, #tpu.memory_space<semaphore_mem>>) attributes {dimension_semantics = [#tpu.dimension_semantics<core_parallel>, #tpu.dimension_semantics<subcore_parallel>], iteration_bounds = array<i64: 2, 16>, scalar_prefetch = 0 : i64, scratch_operands = 9 : i64, tpu.core_type = #tpu.core_type<sc_vector_subcore>, window_params = [{transform_indices = #map}, {transform_indices = #map1}, {transform_indices = #map2}]} {
    %mul3A = arith.constant 2 : i32
    %mul3A_0 = arith.muli %arg1, %mul3A : i32
    %add3A = arith.addi %mul3A_0, %arg0 : i32
    "tpu.region"() ({
      %run_scoped3A = tpu.sem_alloc : memref<!tpu.dma_semaphore, #tpu.memory_space<semaphore_mem>>
      %dma_start3A_274 = arith.constant 0 : i32
      %dma_start3A_275 = arith.constant 0 : i32
      %dma_start3A_276 = tpu.memref_slice %arg3[%dma_start3A_274, %add3A, %dma_start3A_275] : memref<200x32x128xi32, #tpu.memory_space<hbm>> -> memref<200x1x128xi32, #tpu.memory_space<hbm>>
      %dma_start3A_277 = tpu.memref_squeeze %dma_start3A_276 : memref<200x1x128xi32, #tpu.memory_space<hbm>> -> memref<200x128xi32, #tpu.memory_space<hbm>>
      %dma_start3A_278 = arith.constant 0 : i32
      %dma_start3A_279 = arith.constant 0 : i32
      %dma_start3A_280 = tpu.memref_slice %arg3[%dma_start3A_278, %add3A, %dma_start3A_279] : memref<200x32x128xi32, #tpu.memory_space<hbm>> -> memref<200x1x128xi32, #tpu.memory_space<hbm>>
      %dma_start3A_281 = tpu.memref_squeeze %dma_start3A_280 : memref<200x1x128xi32, #tpu.memory_space<hbm>> -> memref<200x128xi32, #tpu.memory_space<hbm>>
      tpu.enqueue_dma source(%dma_start3A_281 : memref<200x128xi32, #tpu.memory_space<hbm>>) target(%arg5 : memref<200x128xi32, #tpu.memory_space<vmem>>) target_semaphore(%run_scoped3A : memref<!tpu.dma_semaphore, #tpu.memory_space<semaphore_mem>>)
      %dma_wait3A_282 = arith.constant 0 : i32
      %dma_wait3A_283 = arith.constant 0 : i32
      %dma_wait3A_284 = tpu.memref_slice %arg3[%dma_wait3A_282, %add3A, %dma_wait3A_283] : memref<200x32x128xi32, #tpu.memory_space<hbm>> -> memref<200x1x128xi32, #tpu.memory_space<hbm>>
      %dma_wait3A_285 = tpu.memref_squeeze %dma_wait3A_284 : memref<200x1x128xi32, #tpu.memory_space<hbm>> -> memref<200x128xi32, #tpu.memory_space<hbm>>
      %dma_wait3A_286 = arith.constant 0 : i32
      %dma_wait3A_287 = arith.constant 0 : i32
      %dma_wait3A_288 = tpu.memref_slice %arg3[%dma_wait3A_286, %add3A, %dma_wait3A_287] : memref<200x32x128xi32, #tpu.memory_space<hbm>> -> memref<200x1x128xi32, #tpu.memory_space<hbm>>
      %dma_wait3A_289 = tpu.memref_squeeze %dma_wait3A_288 : memref<200x1x128xi32, #tpu.memory_space<hbm>> -> memref<200x128xi32, #tpu.memory_space<hbm>>
      tpu.wait_dma2 semaphore(%run_scoped3A : memref<!tpu.dma_semaphore, #tpu.memory_space<semaphore_mem>>) src(%dma_wait3A_289 : memref<200x128xi32, #tpu.memory_space<hbm>>) dst(%arg5 : memref<200x128xi32, #tpu.memory_space<vmem>>)
      tpu.yield
    }) : () -> ()
    %iota3A = tpu.iota {dimensions = array<i32: 0>} : vector<16xi32>
    %dma_start3A = arith.constant 0 : i32
    %dma_start3A_1 = arith.constant 0 : i32
    %dma_start3A_2 = tpu.memref_slice %arg5[%dma_start3A, %dma_start3A_1] : memref<200x128xi32, #tpu.memory_space<vmem>> -> memref<1x128xi32, #tpu.memory_space<vmem>>
    %dma_start3A_3 = tpu.memref_squeeze %dma_start3A_2 : memref<1x128xi32, #tpu.memory_space<vmem>> -> memref<128xi32, #tpu.memory_space<vmem>>
    %dma_start3A_4 = arith.constant 0 : i32
    %dma_start3A_5 = arith.constant 0 : i32
    %dma_start3A_6 = tpu.memref_slice %arg2[%dma_start3A_4, %dma_start3A_5] : memref<1000000x64xf32, #tpu.memory_space<hbm>> -> memref<1000000x64xf32, #tpu.memory_space<hbm>>
    tpu.enqueue_indirect_dma source(%dma_start3A_6 : memref<1000000x64xf32, #tpu.memory_space<hbm>>) target(%arg6 : memref<128x64xf32, #tpu.memory_space<vmem>>) offsets(%dma_start3A_3 : memref<128xi32, #tpu.memory_space<vmem>>) semaphore(%arg10 : memref<!tpu.dma_semaphore, #tpu.memory_space<semaphore_mem>>)
    %dma_start3A_7 = arith.constant 1 : i32
    %dma_start3A_8 = arith.constant 0 : i32
    %dma_start3A_9 = tpu.memref_slice %arg5[%dma_start3A_7, %dma_start3A_8] : memref<200x128xi32, #tpu.memory_space<vmem>> -> memref<1x128xi32, #tpu.memory_space<vmem>>
    %dma_start3A_10 = tpu.memref_squeeze %dma_start3A_9 : memref<1x128xi32, #tpu.memory_space<vmem>> -> memref<128xi32, #tpu.memory_space<vmem>>
    %dma_start3A_11 = arith.constant 0 : i32
    %dma_start3A_12 = arith.constant 0 : i32
    %dma_start3A_13 = tpu.memref_slice %arg2[%dma_start3A_11, %dma_start3A_12] : memref<1000000x64xf32, #tpu.memory_space<hbm>> -> memref<1000000x64xf32, #tpu.memory_space<hbm>>
    tpu.enqueue_indirect_dma source(%dma_start3A_13 : memref<1000000x64xf32, #tpu.memory_space<hbm>>) target(%arg7 : memref<128x64xf32, #tpu.memory_space<vmem>>) offsets(%dma_start3A_10 : memref<128xi32, #tpu.memory_space<vmem>>) semaphore(%arg11 : memref<!tpu.dma_semaphore, #tpu.memory_space<semaphore_mem>>)
    %scan3A = arith.constant 0 : i32
    %scan3A_14 = arith.constant 0 : i32
    %scan3A_15 = arith.constant 100 : i32
    %scan3A_16 = arith.addi %scan3A_14, %scan3A_15 : i32
    %scan3A_17 = arith.constant 1 : i32
    scf.for %scan3A_274 = %scan3A_14 to %scan3A_16 step %scan3A_17  : i32 {
      %mul3A_275 = arith.constant 2 : i32
      %mul3A_276 = arith.muli %scan3A_274, %mul3A_275 : i32
      %add3A_277 = arith.constant 0 : i32
      %add3A_278 = arith.addi %mul3A_276, %add3A_277 : i32
      %dma_wait3A_279 = arith.constant 0 : i32
      %dma_wait3A_280 = arith.constant 0 : i32
      %dma_wait3A_281 = tpu.memref_slice %arg2[%dma_wait3A_279, %dma_wait3A_280] : memref<1000000x64xf32, #tpu.memory_space<hbm>> -> memref<128x64xf32, #tpu.memory_space<hbm>>
      %dma_wait3A_282 = arith.constant 0 : i32
      %dma_wait3A_283 = arith.constant 0 : i32
      %dma_wait3A_284 = tpu.memref_slice %arg2[%dma_wait3A_282, %dma_wait3A_283] : memref<1000000x64xf32, #tpu.memory_space<hbm>> -> memref<128x64xf32, #tpu.memory_space<hbm>>
      tpu.wait_dma2 semaphore(%arg10 : memref<!tpu.dma_semaphore, #tpu.memory_space<semaphore_mem>>) src(%dma_wait3A_284 : memref<128x64xf32, #tpu.memory_space<hbm>>) dst(%arg6 : memref<128x64xf32, #tpu.memory_space<vmem>>)
      %gt3A = arith.constant 0 : i32
      %gt3A_285 = arith.cmpi sgt, %scan3A_274, %gt3A : i32
      %convert_element_type3A = arith.extui %gt3A_285 : i1 to i32
      %cond3A = arith.constant 0 : i32
      %cond3A_286 = arith.cmpi ne, %convert_element_type3A, %cond3A : i32
      scf.if %cond3A_286 {
        %dma_wait3A_560 = arith.constant 0 : i32
        %dma_wait3A_561 = arith.constant 0 : i32
        %dma_wait3A_562 = arith.constant 0 : i32
        %dma_wait3A_563 = arith.constant 0 : i32
        %dma_wait3A_564 = tpu.memref_slice %arg8[%dma_wait3A_562, %dma_wait3A_563] : memref<64x129xf32, #tpu.memory_space<vmem>> -> memref<8x128xf32, #tpu.memory_space<vmem>>
        %dma_wait3A_565 = arith.constant 0 : i32
        %dma_wait3A_566 = arith.constant 0 : i32
        %dma_wait3A_567 = tpu.memref_slice %arg4[%dma_wait3A_560, %dma_wait3A_561, %add3A, %dma_wait3A_565, %dma_wait3A_566] : memref<200x8x32x8x128xf32, #tpu.memory_space<hbm>> -> memref<1x1x1x8x128xf32, #tpu.memory_space<hbm>>
        %dma_wait3A_568 = tpu.memref_squeeze %dma_wait3A_567 : memref<1x1x1x8x128xf32, #tpu.memory_space<hbm>> -> memref<8x128xf32, #tpu.memory_space<hbm>>
        %dma_wait3A_569 = arith.constant 0 : i32
        %dma_wait3A_570 = arith.constant 0 : i32
        %dma_wait3A_571 = tpu.memref_slice %arg4[%dma_wait3A_560, %dma_wait3A_561, %add3A, %dma_wait3A_569, %dma_wait3A_570] : memref<200x8x32x8x128xf32, #tpu.memory_space<hbm>> -> memref<1x1x1x8x128xf32, #tpu.memory_space<hbm>>
        %dma_wait3A_572 = tpu.memref_squeeze %dma_wait3A_571 : memref<1x1x1x8x128xf32, #tpu.memory_space<hbm>> -> memref<8x128xf32, #tpu.memory_space<hbm>>
        %dma_wait3A_573 = arith.constant 0 : i32
        %dma_wait3A_574 = arith.constant 0 : i32
        %dma_wait3A_575 = tpu.memref_slice %arg8[%dma_wait3A_573, %dma_wait3A_574] : memref<64x129xf32, #tpu.memory_space<vmem>> -> memref<8x128xf32, #tpu.memory_space<vmem>>
        tpu.wait_dma2 semaphore(%arg12 : memref<!tpu.dma_semaphore, #tpu.memory_space<semaphore_mem>>) src(%dma_wait3A_575 : memref<8x128xf32, #tpu.memory_space<vmem>>) dst(%dma_wait3A_572 : memref<8x128xf32, #tpu.memory_space<hbm>>)
        %dma_wait3A_576 = arith.constant 0 : i32
        %dma_wait3A_577 = arith.constant 1 : i32
        %dma_wait3A_578 = arith.constant 8 : i32
        %dma_wait3A_579 = arith.constant 0 : i32
        %dma_wait3A_580 = tpu.memref_slice %arg8[%dma_wait3A_578, %dma_wait3A_579] : memref<64x129xf32, #tpu.memory_space<vmem>> -> memref<8x128xf32, #tpu.memory_space<vmem>>
        %dma_wait3A_581 = arith.constant 0 : i32
        %dma_wait3A_582 = arith.constant 0 : i32
        %dma_wait3A_583 = tpu.memref_slice %arg4[%dma_wait3A_576, %dma_wait3A_577, %add3A, %dma_wait3A_581, %dma_wait3A_582] : memref<200x8x32x8x128xf32, #tpu.memory_space<hbm>> -> memref<1x1x1x8x128xf32, #tpu.memory_space<hbm>>
        %dma_wait3A_584 = tpu.memref_squeeze %dma_wait3A_583 : memref<1x1x1x8x128xf32, #tpu.memory_space<hbm>> -> memref<8x128xf32, #tpu.memory_space<hbm>>
        %dma_wait3A_585 = arith.constant 0 : i32
        %dma_wait3A_586 = arith.constant 0 : i32
        %dma_wait3A_587 = tpu.memref_slice %arg4[%dma_wait3A_576, %dma_wait3A_577, %add3A, %dma_wait3A_585, %dma_wait3A_586] : memref<200x8x32x8x128xf32, #tpu.memory_space<hbm>> -> memref<1x1x1x8x128xf32, #tpu.memory_space<hbm>>
        %dma_wait3A_588 = tpu.memref_squeeze %dma_wait3A_587 : memref<1x1x1x8x128xf32, #tpu.memory_space<hbm>> -> memref<8x128xf32, #tpu.memory_space<hbm>>
        %dma_wait3A_589 = arith.constant 8 : i32
        %dma_wait3A_590 = arith.constant 0 : i32
        %dma_wait3A_591 = tpu.memref_slice %arg8[%dma_wait3A_589, %dma_wait3A_590] : memref<64x129xf32, #tpu.memory_space<vmem>> -> memref<8x128xf32, #tpu.memory_space<vmem>>
        tpu.wait_dma2 semaphore(%arg12 : memref<!tpu.dma_semaphore, #tpu.memory_space<semaphore_mem>>) src(%dma_wait3A_591 : memref<8x128xf32, #tpu.memory_space<vmem>>) dst(%dma_wait3A_588 : memref<8x128xf32, #tpu.memory_space<hbm>>)
        %dma_wait3A_592 = arith.constant 0 : i32
        %dma_wait3A_593 = arith.constant 2 : i32
        %dma_wait3A_594 = arith.constant 16 : i32
        %dma_wait3A_595 = arith.constant 0 : i32
        %dma_wait3A_596 = tpu.memref_slice %arg8[%dma_wait3A_594, %dma_wait3A_595] : memref<64x129xf32, #tpu.memory_space<vmem>> -> memref<8x128xf32, #tpu.memory_space<vmem>>
        %dma_wait3A_597 = arith.constant 0 : i32
        %dma_wait3A_598 = arith.constant 0 : i32
        %dma_wait3A_599 = tpu.memref_slice %arg4[%dma_wait3A_592, %dma_wait3A_593, %add3A, %dma_wait3A_597, %dma_wait3A_598] : memref<200x8x32x8x128xf32, #tpu.memory_space<hbm>> -> memref<1x1x1x8x128xf32, #tpu.memory_space<hbm>>
        %dma_wait3A_600 = tpu.memref_squeeze %dma_wait3A_599 : memref<1x1x1x8x128xf32, #tpu.memory_space<hbm>> -> memref<8x128xf32, #tpu.memory_space<hbm>>
        %dma_wait3A_601 = arith.constant 0 : i32
        %dma_wait3A_602 = arith.constant 0 : i32
        %dma_wait3A_603 = tpu.memref_slice %arg4[%dma_wait3A_592, %dma_wait3A_593, %add3A, %dma_wait3A_601, %dma_wait3A_602] : memref<200x8x32x8x128xf32, #tpu.memory_space<hbm>> -> memref<1x1x1x8x128xf32, #tpu.memory_space<hbm>>
        %dma_wait3A_604 = tpu.memref_squeeze %dma_wait3A_603 : memref<1x1x1x8x128xf32, #tpu.memory_space<hbm>> -> memref<8x128xf32, #tpu.memory_space<hbm>>
        %dma_wait3A_605 = arith.constant 16 : i32
        %dma_wait3A_606 = arith.constant 0 : i32
        %dma_wait3A_607 = tpu.memref_slice %arg8[%dma_wait3A_605, %dma_wait3A_606] : memref<64x129xf32, #tpu.memory_space<vmem>> -> memref<8x128xf32, #tpu.memory_space<vmem>>
        tpu.wait_dma2 semaphore(%arg12 : memref<!tpu.dma_semaphore, #tpu.memory_space<semaphore_mem>>) src(%dma_wait3A_607 : memref<8x128xf32, #tpu.memory_space<vmem>>) dst(%dma_wait3A_604 : memref<8x128xf32, #tpu.memory_space<hbm>>)
        %dma_wait3A_608 = arith.constant 0 : i32
        %dma_wait3A_609 = arith.constant 3 : i32
        %dma_wait3A_610 = arith.constant 24 : i32
        %dma_wait3A_611 = arith.constant 0 : i32
        %dma_wait3A_612 = tpu.memref_slice %arg8[%dma_wait3A_610, %dma_wait3A_611] : memref<64x129xf32, #tpu.memory_space<vmem>> -> memref<8x128xf32, #tpu.memory_space<vmem>>
        %dma_wait3A_613 = arith.constant 0 : i32
        %dma_wait3A_614 = arith.constant 0 : i32
        %dma_wait3A_615 = tpu.memref_slice %arg4[%dma_wait3A_608, %dma_wait3A_609, %add3A, %dma_wait3A_613, %dma_wait3A_614] : memref<200x8x32x8x128xf32, #tpu.memory_space<hbm>> -> memref<1x1x1x8x128xf32, #tpu.memory_space<hbm>>
        %dma_wait3A_616 = tpu.memref_squeeze %dma_wait3A_615 : memref<1x1x1x8x128xf32, #tpu.memory_space<hbm>> -> memref<8x128xf32, #tpu.memory_space<hbm>>
        %dma_wait3A_617 = arith.constant 0 : i32
        %dma_wait3A_618 = arith.constant 0 : i32
        %dma_wait3A_619 = tpu.memref_slice %arg4[%dma_wait3A_608, %dma_wait3A_609, %add3A, %dma_wait3A_617, %dma_wait3A_618] : memref<200x8x32x8x128xf32, #tpu.memory_space<hbm>> -> memref<1x1x1x8x128xf32, #tpu.memory_space<hbm>>
        %dma_wait3A_620 = tpu.memref_squeeze %dma_wait3A_619 : memref<1x1x1x8x128xf32, #tpu.memory_space<hbm>> -> memref<8x128xf32, #tpu.memory_space<hbm>>
        %dma_wait3A_621 = arith.constant 24 : i32
        %dma_wait3A_622 = arith.constant 0 : i32
        %dma_wait3A_623 = tpu.memref_slice %arg8[%dma_wait3A_621, %dma_wait3A_622] : memref<64x129xf32, #tpu.memory_space<vmem>> -> memref<8x128xf32, #tpu.memory_space<vmem>>
        tpu.wait_dma2 semaphore(%arg12 : memref<!tpu.dma_semaphore, #tpu.memory_space<semaphore_mem>>) src(%dma_wait3A_623 : memref<8x128xf32, #tpu.memory_space<vmem>>) dst(%dma_wait3A_620 : memref<8x128xf32, #tpu.memory_space<hbm>>)
        %dma_wait3A_624 = arith.constant 0 : i32
        %dma_wait3A_625 = arith.constant 4 : i32
        %dma_wait3A_626 = arith.constant 32 : i32
        %dma_wait3A_627 = arith.constant 0 : i32
        %dma_wait3A_628 = tpu.memref_slice %arg8[%dma_wait3A_626, %dma_wait3A_627] : memref<64x129xf32, #tpu.memory_space<vmem>> -> memref<8x128xf32, #tpu.memory_space<vmem>>
        %dma_wait3A_629 = arith.constant 0 : i32
        %dma_wait3A_630 = arith.constant 0 : i32
        %dma_wait3A_631 = tpu.memref_slice %arg4[%dma_wait3A_624, %dma_wait3A_625, %add3A, %dma_wait3A_629, %dma_wait3A_630] : memref<200x8x32x8x128xf32, #tpu.memory_space<hbm>> -> memref<1x1x1x8x128xf32, #tpu.memory_space<hbm>>
        %dma_wait3A_632 = tpu.memref_squeeze %dma_wait3A_631 : memref<1x1x1x8x128xf32, #tpu.memory_space<hbm>> -> memref<8x128xf32, #tpu.memory_space<hbm>>
        %dma_wait3A_633 = arith.constant 0 : i32
        %dma_wait3A_634 = arith.constant 0 : i32
        %dma_wait3A_635 = tpu.memref_slice %arg4[%dma_wait3A_624, %dma_wait3A_625, %add3A, %dma_wait3A_633, %dma_wait3A_634] : memref<200x8x32x8x128xf32, #tpu.memory_space<hbm>> -> memref<1x1x1x8x128xf32, #tpu.memory_space<hbm>>
        %dma_wait3A_636 = tpu.memref_squeeze %dma_wait3A_635 : memref<1x1x1x8x128xf32, #tpu.memory_space<hbm>> -> memref<8x128xf32, #tpu.memory_space<hbm>>
        %dma_wait3A_637 = arith.constant 32 : i32
        %dma_wait3A_638 = arith.constant 0 : i32
        %dma_wait3A_639 = tpu.memref_slice %arg8[%dma_wait3A_637, %dma_wait3A_638] : memref<64x129xf32, #tpu.memory_space<vmem>> -> memref<8x128xf32, #tpu.memory_space<vmem>>
        tpu.wait_dma2 semaphore(%arg12 : memref<!tpu.dma_semaphore, #tpu.memory_space<semaphore_mem>>) src(%dma_wait3A_639 : memref<8x128xf32, #tpu.memory_space<vmem>>) dst(%dma_wait3A_636 : memref<8x128xf32, #tpu.memory_space<hbm>>)
        %dma_wait3A_640 = arith.constant 0 : i32
        %dma_wait3A_641 = arith.constant 5 : i32
        %dma_wait3A_642 = arith.constant 40 : i32
        %dma_wait3A_643 = arith.constant 0 : i32
        %dma_wait3A_644 = tpu.memref_slice %arg8[%dma_wait3A_642, %dma_wait3A_643] : memref<64x129xf32, #tpu.memory_space<vmem>> -> memref<8x128xf32, #tpu.memory_space<vmem>>
        %dma_wait3A_645 = arith.constant 0 : i32
        %dma_wait3A_646 = arith.constant 0 : i32
        %dma_wait3A_647 = tpu.memref_slice %arg4[%dma_wait3A_640, %dma_wait3A_641, %add3A, %dma_wait3A_645, %dma_wait3A_646] : memref<200x8x32x8x128xf32, #tpu.memory_space<hbm>> -> memref<1x1x1x8x128xf32, #tpu.memory_space<hbm>>
        %dma_wait3A_648 = tpu.memref_squeeze %dma_wait3A_647 : memref<1x1x1x8x128xf32, #tpu.memory_space<hbm>> -> memref<8x128xf32, #tpu.memory_space<hbm>>
        %dma_wait3A_649 = arith.constant 0 : i32
        %dma_wait3A_650 = arith.constant 0 : i32
        %dma_wait3A_651 = tpu.memref_slice %arg4[%dma_wait3A_640, %dma_wait3A_641, %add3A, %dma_wait3A_649, %dma_wait3A_650] : memref<200x8x32x8x128xf32, #tpu.memory_space<hbm>> -> memref<1x1x1x8x128xf32, #tpu.memory_space<hbm>>
        %dma_wait3A_652 = tpu.memref_squeeze %dma_wait3A_651 : memref<1x1x1x8x128xf32, #tpu.memory_space<hbm>> -> memref<8x128xf32, #tpu.memory_space<hbm>>
        %dma_wait3A_653 = arith.constant 40 : i32
        %dma_wait3A_654 = arith.constant 0 : i32
        %dma_wait3A_655 = tpu.memref_slice %arg8[%dma_wait3A_653, %dma_wait3A_654] : memref<64x129xf32, #tpu.memory_space<vmem>> -> memref<8x128xf32, #tpu.memory_space<vmem>>
        tpu.wait_dma2 semaphore(%arg12 : memref<!tpu.dma_semaphore, #tpu.memory_space<semaphore_mem>>) src(%dma_wait3A_655 : memref<8x128xf32, #tpu.memory_space<vmem>>) dst(%dma_wait3A_652 : memref<8x128xf32, #tpu.memory_space<hbm>>)
        %dma_wait3A_656 = arith.constant 0 : i32
        %dma_wait3A_657 = arith.constant 6 : i32
        %dma_wait3A_658 = arith.constant 48 : i32
        %dma_wait3A_659 = arith.constant 0 : i32
        %dma_wait3A_660 = tpu.memref_slice %arg8[%dma_wait3A_658, %dma_wait3A_659] : memref<64x129xf32, #tpu.memory_space<vmem>> -> memref<8x128xf32, #tpu.memory_space<vmem>>
        %dma_wait3A_661 = arith.constant 0 : i32
        %dma_wait3A_662 = arith.constant 0 : i32
        %dma_wait3A_663 = tpu.memref_slice %arg4[%dma_wait3A_656, %dma_wait3A_657, %add3A, %dma_wait3A_661, %dma_wait3A_662] : memref<200x8x32x8x128xf32, #tpu.memory_space<hbm>> -> memref<1x1x1x8x128xf32, #tpu.memory_space<hbm>>
        %dma_wait3A_664 = tpu.memref_squeeze %dma_wait3A_663 : memref<1x1x1x8x128xf32, #tpu.memory_space<hbm>> -> memref<8x128xf32, #tpu.memory_space<hbm>>
        %dma_wait3A_665 = arith.constant 0 : i32
        %dma_wait3A_666 = arith.constant 0 : i32
        %dma_wait3A_667 = tpu.memref_slice %arg4[%dma_wait3A_656, %dma_wait3A_657, %add3A, %dma_wait3A_665, %dma_wait3A_666] : memref<200x8x32x8x128xf32, #tpu.memory_space<hbm>> -> memref<1x1x1x8x128xf32, #tpu.memory_space<hbm>>
        %dma_wait3A_668 = tpu.memref_squeeze %dma_wait3A_667 : memref<1x1x1x8x128xf32, #tpu.memory_space<hbm>> -> memref<8x128xf32, #tpu.memory_space<hbm>>
        %dma_wait3A_669 = arith.constant 48 : i32
        %dma_wait3A_670 = arith.constant 0 : i32
        %dma_wait3A_671 = tpu.memref_slice %arg8[%dma_wait3A_669, %dma_wait3A_670] : memref<64x129xf32, #tpu.memory_space<vmem>> -> memref<8x128xf32, #tpu.memory_space<vmem>>
        tpu.wait_dma2 semaphore(%arg12 : memref<!tpu.dma_semaphore, #tpu.memory_space<semaphore_mem>>) src(%dma_wait3A_671 : memref<8x128xf32, #tpu.memory_space<vmem>>) dst(%dma_wait3A_668 : memref<8x128xf32, #tpu.memory_space<hbm>>)
        %dma_wait3A_672 = arith.constant 0 : i32
        %dma_wait3A_673 = arith.constant 7 : i32
        %dma_wait3A_674 = arith.constant 56 : i32
        %dma_wait3A_675 = arith.constant 0 : i32
        %dma_wait3A_676 = tpu.memref_slice %arg8[%dma_wait3A_674, %dma_wait3A_675] : memref<64x129xf32, #tpu.memory_space<vmem>> -> memref<8x128xf32, #tpu.memory_space<vmem>>
        %dma_wait3A_677 = arith.constant 0 : i32
        %dma_wait3A_678 = arith.constant 0 : i32
        %dma_wait3A_679 = tpu.memref_slice %arg4[%dma_wait3A_672, %dma_wait3A_673, %add3A, %dma_wait3A_677, %dma_wait3A_678] : memref<200x8x32x8x128xf32, #tpu.memory_space<hbm>> -> memref<1x1x1x8x128xf32, #tpu.memory_space<hbm>>
        %dma_wait3A_680 = tpu.memref_squeeze %dma_wait3A_679 : memref<1x1x1x8x128xf32, #tpu.memory_space<hbm>> -> memref<8x128xf32, #tpu.memory_space<hbm>>
        %dma_wait3A_681 = arith.constant 0 : i32
        %dma_wait3A_682 = arith.constant 0 : i32
        %dma_wait3A_683 = tpu.memref_slice %arg4[%dma_wait3A_672, %dma_wait3A_673, %add3A, %dma_wait3A_681, %dma_wait3A_682] : memref<200x8x32x8x128xf32, #tpu.memory_space<hbm>> -> memref<1x1x1x8x128xf32, #tpu.memory_space<hbm>>
        %dma_wait3A_684 = tpu.memref_squeeze %dma_wait3A_683 : memref<1x1x1x8x128xf32, #tpu.memory_space<hbm>> -> memref<8x128xf32, #tpu.memory_space<hbm>>
        %dma_wait3A_685 = arith.constant 56 : i32
        %dma_wait3A_686 = arith.constant 0 : i32
        %dma_wait3A_687 = tpu.memref_slice %arg8[%dma_wait3A_685, %dma_wait3A_686] : memref<64x129xf32, #tpu.memory_space<vmem>> -> memref<8x128xf32, #tpu.memory_space<vmem>>
        tpu.wait_dma2 semaphore(%arg12 : memref<!tpu.dma_semaphore, #tpu.memory_space<semaphore_mem>>) src(%dma_wait3A_687 : memref<8x128xf32, #tpu.memory_space<vmem>>) dst(%dma_wait3A_684 : memref<8x128xf32, #tpu.memory_space<hbm>>)
      } else {
      }
      %parallel_loop3A = arith.constant 0 : i32
      %parallel_loop3A_287 = arith.constant 128 : i32
      %parallel_loop3A_288 = arith.constant 1 : i32
      scf.for %parallel_loop3A_560 = %parallel_loop3A to %parallel_loop3A_287 step %parallel_loop3A_288  : i32 {
        %parallel_loop3A_561 = vector.broadcast %parallel_loop3A_560 : i32 to vector<16xi32>
        %parallel_loop3A_562 = arith.constant 0 : i32
        %parallel_loop3A_563 = vector.broadcast %parallel_loop3A_562 : i32 to vector<16xi32>
        %parallel_loop3A_564 = arith.addi %iota3A, %parallel_loop3A_563 : vector<16xi32>
        %parallel_loop3A_565 = arith.index_cast %parallel_loop3A_560 : i32 to index
        %parallel_loop3A_566 = arith.constant 0 : index
        %parallel_loop3A_567 = tpu.vector_load %arg6[%parallel_loop3A_565, %parallel_loop3A_566] {strides = array<i32>} : memref<128x64xf32, #tpu.memory_space<vmem>>, vector<16xf32>,
        %parallel_loop3A_568 = arith.constant 1.250000e-01 : f32
        %parallel_loop3A_569 = vector.broadcast %parallel_loop3A_568 : f32 to vector<16xf32>
        %parallel_loop3A_570 = arith.mulf %parallel_loop3A_567, %parallel_loop3A_569 : vector<16xf32>
        tpu.vector_store_idx %arg8[%parallel_loop3A_564, %parallel_loop3A_561], %parallel_loop3A_570 : memref<64x129xf32, #tpu.memory_space<vmem>>[vector<16xi32>, vector<16xi32>], vector<16xf32>,
        %parallel_loop3A_571 = arith.constant 16 : i32
        %parallel_loop3A_572 = vector.broadcast %parallel_loop3A_571 : i32 to vector<16xi32>
        %parallel_loop3A_573 = arith.addi %iota3A, %parallel_loop3A_572 : vector<16xi32>
        %parallel_loop3A_574 = arith.index_cast %parallel_loop3A_560 : i32 to index
        %parallel_loop3A_575 = arith.constant 16 : index
        %parallel_loop3A_576 = tpu.vector_load %arg6[%parallel_loop3A_574, %parallel_loop3A_575] {strides = array<i32>} : memref<128x64xf32, #tpu.memory_space<vmem>>, vector<16xf32>,
        %parallel_loop3A_577 = arith.constant 1.250000e-01 : f32
        %parallel_loop3A_578 = vector.broadcast %parallel_loop3A_577 : f32 to vector<16xf32>
        %parallel_loop3A_579 = arith.mulf %parallel_loop3A_576, %parallel_loop3A_578 : vector<16xf32>
        tpu.vector_store_idx %arg8[%parallel_loop3A_573, %parallel_loop3A_561], %parallel_loop3A_579 : memref<64x129xf32, #tpu.memory_space<vmem>>[vector<16xi32>, vector<16xi32>], vector<16xf32>,
        %parallel_loop3A_580 = arith.constant 32 : i32
        %parallel_loop3A_581 = vector.broadcast %parallel_loop3A_580 : i32 to vector<16xi32>
        %parallel_loop3A_582 = arith.addi %iota3A, %parallel_loop3A_581 : vector<16xi32>
        %parallel_loop3A_583 = arith.index_cast %parallel_loop3A_560 : i32 to index
        %parallel_loop3A_584 = arith.constant 32 : index
        %parallel_loop3A_585 = tpu.vector_load %arg6[%parallel_loop3A_583, %parallel_loop3A_584] {strides = array<i32>} : memref<128x64xf32, #tpu.memory_space<vmem>>, vector<16xf32>,
        %parallel_loop3A_586 = arith.constant 1.250000e-01 : f32
        %parallel_loop3A_587 = vector.broadcast %parallel_loop3A_586 : f32 to vector<16xf32>
        %parallel_loop3A_588 = arith.mulf %parallel_loop3A_585, %parallel_loop3A_587 : vector<16xf32>
        tpu.vector_store_idx %arg8[%parallel_loop3A_582, %parallel_loop3A_561], %parallel_loop3A_588 : memref<64x129xf32, #tpu.memory_space<vmem>>[vector<16xi32>, vector<16xi32>], vector<16xf32>,
        %parallel_loop3A_589 = arith.constant 48 : i32
        %parallel_loop3A_590 = vector.broadcast %parallel_loop3A_589 : i32 to vector<16xi32>
        %parallel_loop3A_591 = arith.addi %iota3A, %parallel_loop3A_590 : vector<16xi32>
        %parallel_loop3A_592 = arith.index_cast %parallel_loop3A_560 : i32 to index
        %parallel_loop3A_593 = arith.constant 48 : index
        %parallel_loop3A_594 = tpu.vector_load %arg6[%parallel_loop3A_592, %parallel_loop3A_593] {strides = array<i32>} : memref<128x64xf32, #tpu.memory_space<vmem>>, vector<16xf32>,
        %parallel_loop3A_595 = arith.constant 1.250000e-01 : f32
        %parallel_loop3A_596 = vector.broadcast %parallel_loop3A_595 : f32 to vector<16xf32>
        %parallel_loop3A_597 = arith.mulf %parallel_loop3A_594, %parallel_loop3A_596 : vector<16xf32>
        tpu.vector_store_idx %arg8[%parallel_loop3A_591, %parallel_loop3A_561], %parallel_loop3A_597 : memref<64x129xf32, #tpu.memory_space<vmem>>[vector<16xi32>, vector<16xi32>], vector<16xf32>,
      } {sc.loop_unroll_factor = 2 : i64, sc.parallel_access}
      %dma_start3A_289 = arith.constant 0 : i32
      %dma_start3A_290 = arith.constant 0 : i32
      %dma_start3A_291 = arith.constant 0 : i32
      %dma_start3A_292 = tpu.memref_slice %arg8[%dma_start3A_290, %dma_start3A_291] : memref<64x129xf32, #tpu.memory_space<vmem>> -> memref<8x128xf32, #tpu.memory_space<vmem>>
      %dma_start3A_293 = arith.constant 0 : i32
      %dma_start3A_294 = arith.constant 0 : i32
      %dma_start3A_295 = tpu.memref_slice %arg4[%add3A_278, %dma_start3A_289, %add3A, %dma_start3A_293, %dma_start3A_294] : memref<200x8x32x8x128xf32, #tpu.memory_space<hbm>> -> memref<1x1x1x8x128xf32, #tpu.memory_space<hbm>>
      %dma_start3A_296 = tpu.memref_squeeze %dma_start3A_295 : memref<1x1x1x8x128xf32, #tpu.memory_space<hbm>> -> memref<8x128xf32, #tpu.memory_space<hbm>>
      %dma_start3A_297 = arith.constant 0 : i32
      %dma_start3A_298 = arith.constant 0 : i32
      %dma_start3A_299 = tpu.memref_slice %arg4[%add3A_278, %dma_start3A_289, %add3A, %dma_start3A_297, %dma_start3A_298] : memref<200x8x32x8x128xf32, #tpu.memory_space<hbm>> -> memref<1x1x1x8x128xf32, #tpu.memory_space<hbm>>
      %dma_start3A_300 = tpu.memref_squeeze %dma_start3A_299 : memref<1x1x1x8x128xf32, #tpu.memory_space<hbm>> -> memref<8x128xf32, #tpu.memory_space<hbm>>
      %dma_start3A_301 = arith.constant 0 : i32
      %dma_start3A_302 = arith.constant 0 : i32
      %dma_start3A_303 = tpu.memref_slice %arg8[%dma_start3A_301, %dma_start3A_302] : memref<64x129xf32, #tpu.memory_space<vmem>> -> memref<8x128xf32, #tpu.memory_space<vmem>>
      tpu.enqueue_dma source(%dma_start3A_303 : memref<8x128xf32, #tpu.memory_space<vmem>>) target(%dma_start3A_300 : memref<8x128xf32, #tpu.memory_space<hbm>>) target_semaphore(%arg12 : memref<!tpu.dma_semaphore, #tpu.memory_space<semaphore_mem>>)
      %dma_start3A_304 = arith.constant 1 : i32
      %dma_start3A_305 = arith.constant 8 : i32
      %dma_start3A_306 = arith.constant 0 : i32
      %dma_start3A_307 = tpu.memref_slice %arg8[%dma_start3A_305, %dma_start3A_306] : memref<64x129xf32, #tpu.memory_space<vmem>> -> memref<8x128xf32, #tpu.memory_space<vmem>>
      %dma_start3A_308 = arith.constant 0 : i32
      %dma_start3A_309 = arith.constant 0 : i32
      %dma_start3A_310 = tpu.memref_slice %arg4[%add3A_278, %dma_start3A_304, %add3A, %dma_start3A_308, %dma_start3A_309] : memref<200x8x32x8x128xf32, #tpu.memory_space<hbm>> -> memref<1x1x1x8x128xf32, #tpu.memory_space<hbm>>
      %dma_start3A_311 = tpu.memref_squeeze %dma_start3A_310 : memref<1x1x1x8x128xf32, #tpu.memory_space<hbm>> -> memref<8x128xf32, #tpu.memory_space<hbm>>
      %dma_start3A_312 = arith.constant 0 : i32
      %dma_start3A_313 = arith.constant 0 : i32
      %dma_start3A_314 = tpu.memref_slice %arg4[%add3A_278, %dma_start3A_304, %add3A, %dma_start3A_312, %dma_start3A_313] : memref<200x8x32x8x128xf32, #tpu.memory_space<hbm>> -> memref<1x1x1x8x128xf32, #tpu.memory_space<hbm>>
      %dma_start3A_315 = tpu.memref_squeeze %dma_start3A_314 : memref<1x1x1x8x128xf32, #tpu.memory_space<hbm>> -> memref<8x128xf32, #tpu.memory_space<hbm>>
      %dma_start3A_316 = arith.constant 8 : i32
      %dma_start3A_317 = arith.constant 0 : i32
      %dma_start3A_318 = tpu.memref_slice %arg8[%dma_start3A_316, %dma_start3A_317] : memref<64x129xf32, #tpu.memory_space<vmem>> -> memref<8x128xf32, #tpu.memory_space<vmem>>
      tpu.enqueue_dma source(%dma_start3A_318 : memref<8x128xf32, #tpu.memory_space<vmem>>) target(%dma_start3A_315 : memref<8x128xf32, #tpu.memory_space<hbm>>) target_semaphore(%arg12 : memref<!tpu.dma_semaphore, #tpu.memory_space<semaphore_mem>>)
      %dma_start3A_319 = arith.constant 2 : i32
      %dma_start3A_320 = arith.constant 16 : i32
      %dma_start3A_321 = arith.constant 0 : i32
      %dma_start3A_322 = tpu.memref_slice %arg8[%dma_start3A_320, %dma_start3A_321] : memref<64x129xf32, #tpu.memory_space<vmem>> -> memref<8x128xf32, #tpu.memory_space<vmem>>
      %dma_start3A_323 = arith.constant 0 : i32
      %dma_start3A_324 = arith.constant 0 : i32
      %dma_start3A_325 = tpu.memref_slice %arg4[%add3A_278, %dma_start3A_319, %add3A, %dma_start3A_323, %dma_start3A_324] : memref<200x8x32x8x128xf32, #tpu.memory_space<hbm>> -> memref<1x1x1x8x128xf32, #tpu.memory_space<hbm>>
      %dma_start3A_326 = tpu.memref_squeeze %dma_start3A_325 : memref<1x1x1x8x128xf32, #tpu.memory_space<hbm>> -> memref<8x128xf32, #tpu.memory_space<hbm>>
      %dma_start3A_327 = arith.constant 0 : i32
      %dma_start3A_328 = arith.constant 0 : i32
      %dma_start3A_329 = tpu.memref_slice %arg4[%add3A_278, %dma_start3A_319, %add3A, %dma_start3A_327, %dma_start3A_328] : memref<200x8x32x8x128xf32, #tpu.memory_space<hbm>> -> memref<1x1x1x8x128xf32, #tpu.memory_space<hbm>>
      %dma_start3A_330 = tpu.memref_squeeze %dma_start3A_329 : memref<1x1x1x8x128xf32, #tpu.memory_space<hbm>> -> memref<8x128xf32, #tpu.memory_space<hbm>>
      %dma_start3A_331 = arith.constant 16 : i32
      %dma_start3A_332 = arith.constant 0 : i32
      %dma_start3A_333 = tpu.memref_slice %arg8[%dma_start3A_331, %dma_start3A_332] : memref<64x129xf32, #tpu.memory_space<vmem>> -> memref<8x128xf32, #tpu.memory_space<vmem>>
      tpu.enqueue_dma source(%dma_start3A_333 : memref<8x128xf32, #tpu.memory_space<vmem>>) target(%dma_start3A_330 : memref<8x128xf32, #tpu.memory_space<hbm>>) target_semaphore(%arg12 : memref<!tpu.dma_semaphore, #tpu.memory_space<semaphore_mem>>)
      %dma_start3A_334 = arith.constant 3 : i32
      %dma_start3A_335 = arith.constant 24 : i32
      %dma_start3A_336 = arith.constant 0 : i32
      %dma_start3A_337 = tpu.memref_slice %arg8[%dma_start3A_335, %dma_start3A_336] : memref<64x129xf32, #tpu.memory_space<vmem>> -> memref<8x128xf32, #tpu.memory_space<vmem>>
      %dma_start3A_338 = arith.constant 0 : i32
      %dma_start3A_339 = arith.constant 0 : i32
      %dma_start3A_340 = tpu.memref_slice %arg4[%add3A_278, %dma_start3A_334, %add3A, %dma_start3A_338, %dma_start3A_339] : memref<200x8x32x8x128xf32, #tpu.memory_space<hbm>> -> memref<1x1x1x8x128xf32, #tpu.memory_space<hbm>>
      %dma_start3A_341 = tpu.memref_squeeze %dma_start3A_340 : memref<1x1x1x8x128xf32, #tpu.memory_space<hbm>> -> memref<8x128xf32, #tpu.memory_space<hbm>>
      %dma_start3A_342 = arith.constant 0 : i32
      %dma_start3A_343 = arith.constant 0 : i32
      %dma_start3A_344 = tpu.memref_slice %arg4[%add3A_278, %dma_start3A_334, %add3A, %dma_start3A_342, %dma_start3A_343] : memref<200x8x32x8x128xf32, #tpu.memory_space<hbm>> -> memref<1x1x1x8x128xf32, #tpu.memory_space<hbm>>
      %dma_start3A_345 = tpu.memref_squeeze %dma_start3A_344 : memref<1x1x1x8x128xf32, #tpu.memory_space<hbm>> -> memref<8x128xf32, #tpu.memory_space<hbm>>
      %dma_start3A_346 = arith.constant 24 : i32
      %dma_start3A_347 = arith.constant 0 : i32
      %dma_start3A_348 = tpu.memref_slice %arg8[%dma_start3A_346, %dma_start3A_347] : memref<64x129xf32, #tpu.memory_space<vmem>> -> memref<8x128xf32, #tpu.memory_space<vmem>>
      tpu.enqueue_dma source(%dma_start3A_348 : memref<8x128xf32, #tpu.memory_space<vmem>>) target(%dma_start3A_345 : memref<8x128xf32, #tpu.memory_space<hbm>>) target_semaphore(%arg12 : memref<!tpu.dma_semaphore, #tpu.memory_space<semaphore_mem>>)
      %dma_start3A_349 = arith.constant 4 : i32
      %dma_start3A_350 = arith.constant 32 : i32
      %dma_start3A_351 = arith.constant 0 : i32
      %dma_start3A_352 = tpu.memref_slice %arg8[%dma_start3A_350, %dma_start3A_351] : memref<64x129xf32, #tpu.memory_space<vmem>> -> memref<8x128xf32, #tpu.memory_space<vmem>>
      %dma_start3A_353 = arith.constant 0 : i32
      %dma_start3A_354 = arith.constant 0 : i32
      %dma_start3A_355 = tpu.memref_slice %arg4[%add3A_278, %dma_start3A_349, %add3A, %dma_start3A_353, %dma_start3A_354] : memref<200x8x32x8x128xf32, #tpu.memory_space<hbm>> -> memref<1x1x1x8x128xf32, #tpu.memory_space<hbm>>
      %dma_start3A_356 = tpu.memref_squeeze %dma_start3A_355 : memref<1x1x1x8x128xf32, #tpu.memory_space<hbm>> -> memref<8x128xf32, #tpu.memory_space<hbm>>
      %dma_start3A_357 = arith.constant 0 : i32
      %dma_start3A_358 = arith.constant 0 : i32
      %dma_start3A_359 = tpu.memref_slice %arg4[%add3A_278, %dma_start3A_349, %add3A, %dma_start3A_357, %dma_start3A_358] : memref<200x8x32x8x128xf32, #tpu.memory_space<hbm>> -> memref<1x1x1x8x128xf32, #tpu.memory_space<hbm>>
      %dma_start3A_360 = tpu.memref_squeeze %dma_start3A_359 : memref<1x1x1x8x128xf32, #tpu.memory_space<hbm>> -> memref<8x128xf32, #tpu.memory_space<hbm>>
      %dma_start3A_361 = arith.constant 32 : i32
      %dma_start3A_362 = arith.constant 0 : i32
      %dma_start3A_363 = tpu.memref_slice %arg8[%dma_start3A_361, %dma_start3A_362] : memref<64x129xf32, #tpu.memory_space<vmem>> -> memref<8x128xf32, #tpu.memory_space<vmem>>
      tpu.enqueue_dma source(%dma_start3A_363 : memref<8x128xf32, #tpu.memory_space<vmem>>) target(%dma_start3A_360 : memref<8x128xf32, #tpu.memory_space<hbm>>) target_semaphore(%arg12 : memref<!tpu.dma_semaphore, #tpu.memory_space<semaphore_mem>>)
      %dma_start3A_364 = arith.constant 5 : i32
      %dma_start3A_365 = arith.constant 40 : i32
      %dma_start3A_366 = arith.constant 0 : i32
      %dma_start3A_367 = tpu.memref_slice %arg8[%dma_start3A_365, %dma_start3A_366] : memref<64x129xf32, #tpu.memory_space<vmem>> -> memref<8x128xf32, #tpu.memory_space<vmem>>
      %dma_start3A_368 = arith.constant 0 : i32
      %dma_start3A_369 = arith.constant 0 : i32
      %dma_start3A_370 = tpu.memref_slice %arg4[%add3A_278, %dma_start3A_364, %add3A, %dma_start3A_368, %dma_start3A_369] : memref<200x8x32x8x128xf32, #tpu.memory_space<hbm>> -> memref<1x1x1x8x128xf32, #tpu.memory_space<hbm>>
      %dma_start3A_371 = tpu.memref_squeeze %dma_start3A_370 : memref<1x1x1x8x128xf32, #tpu.memory_space<hbm>> -> memref<8x128xf32, #tpu.memory_space<hbm>>
      %dma_start3A_372 = arith.constant 0 : i32
      %dma_start3A_373 = arith.constant 0 : i32
      %dma_start3A_374 = tpu.memref_slice %arg4[%add3A_278, %dma_start3A_364, %add3A, %dma_start3A_372, %dma_start3A_373] : memref<200x8x32x8x128xf32, #tpu.memory_space<hbm>> -> memref<1x1x1x8x128xf32, #tpu.memory_space<hbm>>
      %dma_start3A_375 = tpu.memref_squeeze %dma_start3A_374 : memref<1x1x1x8x128xf32, #tpu.memory_space<hbm>> -> memref<8x128xf32, #tpu.memory_space<hbm>>
      %dma_start3A_376 = arith.constant 40 : i32
      %dma_start3A_377 = arith.constant 0 : i32
      %dma_start3A_378 = tpu.memref_slice %arg8[%dma_start3A_376, %dma_start3A_377] : memref<64x129xf32, #tpu.memory_space<vmem>> -> memref<8x128xf32, #tpu.memory_space<vmem>>
      tpu.enqueue_dma source(%dma_start3A_378 : memref<8x128xf32, #tpu.memory_space<vmem>>) target(%dma_start3A_375 : memref<8x128xf32, #tpu.memory_space<hbm>>) target_semaphore(%arg12 : memref<!tpu.dma_semaphore, #tpu.memory_space<semaphore_mem>>)
      %dma_start3A_379 = arith.constant 6 : i32
      %dma_start3A_380 = arith.constant 48 : i32
      %dma_start3A_381 = arith.constant 0 : i32
      %dma_start3A_382 = tpu.memref_slice %arg8[%dma_start3A_380, %dma_start3A_381] : memref<64x129xf32, #tpu.memory_space<vmem>> -> memref<8x128xf32, #tpu.memory_space<vmem>>
      %dma_start3A_383 = arith.constant 0 : i32
      %dma_start3A_384 = arith.constant 0 : i32
      %dma_start3A_385 = tpu.memref_slice %arg4[%add3A_278, %dma_start3A_379, %add3A, %dma_start3A_383, %dma_start3A_384] : memref<200x8x32x8x128xf32, #tpu.memory_space<hbm>> -> memref<1x1x1x8x128xf32, #tpu.memory_space<hbm>>
      %dma_start3A_386 = tpu.memref_squeeze %dma_start3A_385 : memref<1x1x1x8x128xf32, #tpu.memory_space<hbm>> -> memref<8x128xf32, #tpu.memory_space<hbm>>
      %dma_start3A_387 = arith.constant 0 : i32
      %dma_start3A_388 = arith.constant 0 : i32
      %dma_start3A_389 = tpu.memref_slice %arg4[%add3A_278, %dma_start3A_379, %add3A, %dma_start3A_387, %dma_start3A_388] : memref<200x8x32x8x128xf32, #tpu.memory_space<hbm>> -> memref<1x1x1x8x128xf32, #tpu.memory_space<hbm>>
      %dma_start3A_390 = tpu.memref_squeeze %dma_start3A_389 : memref<1x1x1x8x128xf32, #tpu.memory_space<hbm>> -> memref<8x128xf32, #tpu.memory_space<hbm>>
      %dma_start3A_391 = arith.constant 48 : i32
      %dma_start3A_392 = arith.constant 0 : i32
      %dma_start3A_393 = tpu.memref_slice %arg8[%dma_start3A_391, %dma_start3A_392] : memref<64x129xf32, #tpu.memory_space<vmem>> -> memref<8x128xf32, #tpu.memory_space<vmem>>
      tpu.enqueue_dma source(%dma_start3A_393 : memref<8x128xf32, #tpu.memory_space<vmem>>) target(%dma_start3A_390 : memref<8x128xf32, #tpu.memory_space<hbm>>) target_semaphore(%arg12 : memref<!tpu.dma_semaphore, #tpu.memory_space<semaphore_mem>>)
      %dma_start3A_394 = arith.constant 7 : i32
      %dma_start3A_395 = arith.constant 56 : i32
      %dma_start3A_396 = arith.constant 0 : i32
      %dma_start3A_397 = tpu.memref_slice %arg8[%dma_start3A_395, %dma_start3A_396] : memref<64x129xf32, #tpu.memory_space<vmem>> -> memref<8x128xf32, #tpu.memory_space<vmem>>
      %dma_start3A_398 = arith.constant 0 : i32
      %dma_start3A_399 = arith.constant 0 : i32
      %dma_start3A_400 = tpu.memref_slice %arg4[%add3A_278, %dma_start3A_394, %add3A, %dma_start3A_398, %dma_start3A_399] : memref<200x8x32x8x128xf32, #tpu.memory_space<hbm>> -> memref<1x1x1x8x128xf32, #tpu.memory_space<hbm>>
      %dma_start3A_401 = tpu.memref_squeeze %dma_start3A_400 : memref<1x1x1x8x128xf32, #tpu.memory_space<hbm>> -> memref<8x128xf32, #tpu.memory_space<hbm>>
      %dma_start3A_402 = arith.constant 0 : i32
      %dma_start3A_403 = arith.constant 0 : i32
      %dma_start3A_404 = tpu.memref_slice %arg4[%add3A_278, %dma_start3A_394, %add3A, %dma_start3A_402, %dma_start3A_403] : memref<200x8x32x8x128xf32, #tpu.memory_space<hbm>> -> memref<1x1x1x8x128xf32, #tpu.memory_space<hbm>>
      %dma_start3A_405 = tpu.memref_squeeze %dma_start3A_404 : memref<1x1x1x8x128xf32, #tpu.memory_space<hbm>> -> memref<8x128xf32, #tpu.memory_space<hbm>>
      %dma_start3A_406 = arith.constant 56 : i32
      %dma_start3A_407 = arith.constant 0 : i32
      %dma_start3A_408 = tpu.memref_slice %arg8[%dma_start3A_406, %dma_start3A_407] : memref<64x129xf32, #tpu.memory_space<vmem>> -> memref<8x128xf32, #tpu.memory_space<vmem>>
      tpu.enqueue_dma source(%dma_start3A_408 : memref<8x128xf32, #tpu.memory_space<vmem>>) target(%dma_start3A_405 : memref<8x128xf32, #tpu.memory_space<hbm>>) target_semaphore(%arg12 : memref<!tpu.dma_semaphore, #tpu.memory_space<semaphore_mem>>)
      %add3A_409 = arith.constant 2 : i32
      %add3A_410 = arith.addi %add3A_278, %add3A_409 : i32
      %lt3A = arith.constant 200 : i32
      %lt3A_411 = arith.cmpi slt, %add3A_410, %lt3A : i32
      %convert_element_type3A_412 = arith.extui %lt3A_411 : i1 to i32
      %cond3A_413 = arith.constant 0 : i32
      %cond3A_414 = arith.cmpi ne, %convert_element_type3A_412, %cond3A_413 : i32
      scf.if %cond3A_414 {
        %add3A_560 = arith.constant 2 : i32
        %add3A_561 = arith.addi %add3A_278, %add3A_560 : i32
        %dma_start3A_562 = arith.constant 0 : i32
        %dma_start3A_563 = tpu.memref_slice %arg5[%add3A_561, %dma_start3A_562] : memref<200x128xi32, #tpu.memory_space<vmem>> -> memref<1x128xi32, #tpu.memory_space<vmem>>
        %dma_start3A_564 = tpu.memref_squeeze %dma_start3A_563 : memref<1x128xi32, #tpu.memory_space<vmem>> -> memref<128xi32, #tpu.memory_space<vmem>>
        %dma_start3A_565 = arith.constant 0 : i32
        %dma_start3A_566 = arith.constant 0 : i32
        %dma_start3A_567 = tpu.memref_slice %arg2[%dma_start3A_565, %dma_start3A_566] : memref<1000000x64xf32, #tpu.memory_space<hbm>> -> memref<1000000x64xf32, #tpu.memory_space<hbm>>
        tpu.enqueue_indirect_dma source(%dma_start3A_567 : memref<1000000x64xf32, #tpu.memory_space<hbm>>) target(%arg6 : memref<128x64xf32, #tpu.memory_space<vmem>>) offsets(%dma_start3A_564 : memref<128xi32, #tpu.memory_space<vmem>>) semaphore(%arg10 : memref<!tpu.dma_semaphore, #tpu.memory_space<semaphore_mem>>)
      } else {
      }
      %mul3A_415 = arith.constant 2 : i32
      %mul3A_416 = arith.muli %scan3A_274, %mul3A_415 : i32
      %add3A_417 = arith.constant 1 : i32
      %add3A_418 = arith.addi %mul3A_416, %add3A_417 : i32
      %dma_wait3A_419 = arith.constant 0 : i32
      %dma_wait3A_420 = arith.constant 0 : i32
      %dma_wait3A_421 = tpu.memref_slice %arg2[%dma_wait3A_419, %dma_wait3A_420] : memref<1000000x64xf32, #tpu.memory_space<hbm>> -> memref<128x64xf32, #tpu.memory_space<hbm>>
      %dma_wait3A_422 = arith.constant 0 : i32
      %dma_wait3A_423 = arith.constant 0 : i32
      %dma_wait3A_424 = tpu.memref_slice %arg2[%dma_wait3A_422, %dma_wait3A_423] : memref<1000000x64xf32, #tpu.memory_space<hbm>> -> memref<128x64xf32, #tpu.memory_space<hbm>>
      tpu.wait_dma2 semaphore(%arg11 : memref<!tpu.dma_semaphore, #tpu.memory_space<semaphore_mem>>) src(%dma_wait3A_424 : memref<128x64xf32, #tpu.memory_space<hbm>>) dst(%arg7 : memref<128x64xf32, #tpu.memory_space<vmem>>)
      %gt3A_425 = arith.constant 0 : i32
      %gt3A_426 = arith.cmpi sgt, %scan3A_274, %gt3A_425 : i32
      %convert_element_type3A_427 = arith.extui %gt3A_426 : i1 to i32
      %cond3A_428 = arith.constant 0 : i32
      %cond3A_429 = arith.cmpi ne, %convert_element_type3A_427, %cond3A_428 : i32
      scf.if %cond3A_429 {
        %dma_wait3A_560 = arith.constant 0 : i32
        %dma_wait3A_561 = arith.constant 0 : i32
        %dma_wait3A_562 = arith.constant 0 : i32
        %dma_wait3A_563 = arith.constant 0 : i32
        %dma_wait3A_564 = tpu.memref_slice %arg9[%dma_wait3A_562, %dma_wait3A_563] : memref<64x129xf32, #tpu.memory_space<vmem>> -> memref<8x128xf32, #tpu.memory_space<vmem>>
        %dma_wait3A_565 = arith.constant 0 : i32
        %dma_wait3A_566 = arith.constant 0 : i32
        %dma_wait3A_567 = tpu.memref_slice %arg4[%dma_wait3A_560, %dma_wait3A_561, %add3A, %dma_wait3A_565, %dma_wait3A_566] : memref<200x8x32x8x128xf32, #tpu.memory_space<hbm>> -> memref<1x1x1x8x128xf32, #tpu.memory_space<hbm>>
        %dma_wait3A_568 = tpu.memref_squeeze %dma_wait3A_567 : memref<1x1x1x8x128xf32, #tpu.memory_space<hbm>> -> memref<8x128xf32, #tpu.memory_space<hbm>>
        %dma_wait3A_569 = arith.constant 0 : i32
        %dma_wait3A_570 = arith.constant 0 : i32
        %dma_wait3A_571 = tpu.memref_slice %arg4[%dma_wait3A_560, %dma_wait3A_561, %add3A, %dma_wait3A_569, %dma_wait3A_570] : memref<200x8x32x8x128xf32, #tpu.memory_space<hbm>> -> memref<1x1x1x8x128xf32, #tpu.memory_space<hbm>>
        %dma_wait3A_572 = tpu.memref_squeeze %dma_wait3A_571 : memref<1x1x1x8x128xf32, #tpu.memory_space<hbm>> -> memref<8x128xf32, #tpu.memory_space<hbm>>
        %dma_wait3A_573 = arith.constant 0 : i32
        %dma_wait3A_574 = arith.constant 0 : i32
        %dma_wait3A_575 = tpu.memref_slice %arg9[%dma_wait3A_573, %dma_wait3A_574] : memref<64x129xf32, #tpu.memory_space<vmem>> -> memref<8x128xf32, #tpu.memory_space<vmem>>
        tpu.wait_dma2 semaphore(%arg13 : memref<!tpu.dma_semaphore, #tpu.memory_space<semaphore_mem>>) src(%dma_wait3A_575 : memref<8x128xf32, #tpu.memory_space<vmem>>) dst(%dma_wait3A_572 : memref<8x128xf32, #tpu.memory_space<hbm>>)
        %dma_wait3A_576 = arith.constant 0 : i32
        %dma_wait3A_577 = arith.constant 1 : i32
        %dma_wait3A_578 = arith.constant 8 : i32
        %dma_wait3A_579 = arith.constant 0 : i32
        %dma_wait3A_580 = tpu.memref_slice %arg9[%dma_wait3A_578, %dma_wait3A_579] : memref<64x129xf32, #tpu.memory_space<vmem>> -> memref<8x128xf32, #tpu.memory_space<vmem>>
        %dma_wait3A_581 = arith.constant 0 : i32
        %dma_wait3A_582 = arith.constant 0 : i32
        %dma_wait3A_583 = tpu.memref_slice %arg4[%dma_wait3A_576, %dma_wait3A_577, %add3A, %dma_wait3A_581, %dma_wait3A_582] : memref<200x8x32x8x128xf32, #tpu.memory_space<hbm>> -> memref<1x1x1x8x128xf32, #tpu.memory_space<hbm>>
        %dma_wait3A_584 = tpu.memref_squeeze %dma_wait3A_583 : memref<1x1x1x8x128xf32, #tpu.memory_space<hbm>> -> memref<8x128xf32, #tpu.memory_space<hbm>>
        %dma_wait3A_585 = arith.constant 0 : i32
        %dma_wait3A_586 = arith.constant 0 : i32
        %dma_wait3A_587 = tpu.memref_slice %arg4[%dma_wait3A_576, %dma_wait3A_577, %add3A, %dma_wait3A_585, %dma_wait3A_586] : memref<200x8x32x8x128xf32, #tpu.memory_space<hbm>> -> memref<1x1x1x8x128xf32, #tpu.memory_space<hbm>>
        %dma_wait3A_588 = tpu.memref_squeeze %dma_wait3A_587 : memref<1x1x1x8x128xf32, #tpu.memory_space<hbm>> -> memref<8x128xf32, #tpu.memory_space<hbm>>
        %dma_wait3A_589 = arith.constant 8 : i32
        %dma_wait3A_590 = arith.constant 0 : i32
        %dma_wait3A_591 = tpu.memref_slice %arg9[%dma_wait3A_589, %dma_wait3A_590] : memref<64x129xf32, #tpu.memory_space<vmem>> -> memref<8x128xf32, #tpu.memory_space<vmem>>
        tpu.wait_dma2 semaphore(%arg13 : memref<!tpu.dma_semaphore, #tpu.memory_space<semaphore_mem>>) src(%dma_wait3A_591 : memref<8x128xf32, #tpu.memory_space<vmem>>) dst(%dma_wait3A_588 : memref<8x128xf32, #tpu.memory_space<hbm>>)
        %dma_wait3A_592 = arith.constant 0 : i32
        %dma_wait3A_593 = arith.constant 2 : i32
        %dma_wait3A_594 = arith.constant 16 : i32
        %dma_wait3A_595 = arith.constant 0 : i32
        %dma_wait3A_596 = tpu.memref_slice %arg9[%dma_wait3A_594, %dma_wait3A_595] : memref<64x129xf32, #tpu.memory_space<vmem>> -> memref<8x128xf32, #tpu.memory_space<vmem>>
        %dma_wait3A_597 = arith.constant 0 : i32
        %dma_wait3A_598 = arith.constant 0 : i32
        %dma_wait3A_599 = tpu.memref_slice %arg4[%dma_wait3A_592, %dma_wait3A_593, %add3A, %dma_wait3A_597, %dma_wait3A_598] : memref<200x8x32x8x128xf32, #tpu.memory_space<hbm>> -> memref<1x1x1x8x128xf32, #tpu.memory_space<hbm>>
        %dma_wait3A_600 = tpu.memref_squeeze %dma_wait3A_599 : memref<1x1x1x8x128xf32, #tpu.memory_space<hbm>> -> memref<8x128xf32, #tpu.memory_space<hbm>>
        %dma_wait3A_601 = arith.constant 0 : i32
        %dma_wait3A_602 = arith.constant 0 : i32
        %dma_wait3A_603 = tpu.memref_slice %arg4[%dma_wait3A_592, %dma_wait3A_593, %add3A, %dma_wait3A_601, %dma_wait3A_602] : memref<200x8x32x8x128xf32, #tpu.memory_space<hbm>> -> memref<1x1x1x8x128xf32, #tpu.memory_space<hbm>>
        %dma_wait3A_604 = tpu.memref_squeeze %dma_wait3A_603 : memref<1x1x1x8x128xf32, #tpu.memory_space<hbm>> -> memref<8x128xf32, #tpu.memory_space<hbm>>
        %dma_wait3A_605 = arith.constant 16 : i32
        %dma_wait3A_606 = arith.constant 0 : i32
        %dma_wait3A_607 = tpu.memref_slice %arg9[%dma_wait3A_605, %dma_wait3A_606] : memref<64x129xf32, #tpu.memory_space<vmem>> -> memref<8x128xf32, #tpu.memory_space<vmem>>
        tpu.wait_dma2 semaphore(%arg13 : memref<!tpu.dma_semaphore, #tpu.memory_space<semaphore_mem>>) src(%dma_wait3A_607 : memref<8x128xf32, #tpu.memory_space<vmem>>) dst(%dma_wait3A_604 : memref<8x128xf32, #tpu.memory_space<hbm>>)
        %dma_wait3A_608 = arith.constant 0 : i32
        %dma_wait3A_609 = arith.constant 3 : i32
        %dma_wait3A_610 = arith.constant 24 : i32
        %dma_wait3A_611 = arith.constant 0 : i32
        %dma_wait3A_612 = tpu.memref_slice %arg9[%dma_wait3A_610, %dma_wait3A_611] : memref<64x129xf32, #tpu.memory_space<vmem>> -> memref<8x128xf32, #tpu.memory_space<vmem>>
        %dma_wait3A_613 = arith.constant 0 : i32
        %dma_wait3A_614 = arith.constant 0 : i32
        %dma_wait3A_615 = tpu.memref_slice %arg4[%dma_wait3A_608, %dma_wait3A_609, %add3A, %dma_wait3A_613, %dma_wait3A_614] : memref<200x8x32x8x128xf32, #tpu.memory_space<hbm>> -> memref<1x1x1x8x128xf32, #tpu.memory_space<hbm>>
        %dma_wait3A_616 = tpu.memref_squeeze %dma_wait3A_615 : memref<1x1x1x8x128xf32, #tpu.memory_space<hbm>> -> memref<8x128xf32, #tpu.memory_space<hbm>>
        %dma_wait3A_617 = arith.constant 0 : i32
        %dma_wait3A_618 = arith.constant 0 : i32
        %dma_wait3A_619 = tpu.memref_slice %arg4[%dma_wait3A_608, %dma_wait3A_609, %add3A, %dma_wait3A_617, %dma_wait3A_618] : memref<200x8x32x8x128xf32, #tpu.memory_space<hbm>> -> memref<1x1x1x8x128xf32, #tpu.memory_space<hbm>>
        %dma_wait3A_620 = tpu.memref_squeeze %dma_wait3A_619 : memref<1x1x1x8x128xf32, #tpu.memory_space<hbm>> -> memref<8x128xf32, #tpu.memory_space<hbm>>
        %dma_wait3A_621 = arith.constant 24 : i32
        %dma_wait3A_622 = arith.constant 0 : i32
        %dma_wait3A_623 = tpu.memref_slice %arg9[%dma_wait3A_621, %dma_wait3A_622] : memref<64x129xf32, #tpu.memory_space<vmem>> -> memref<8x128xf32, #tpu.memory_space<vmem>>
        tpu.wait_dma2 semaphore(%arg13 : memref<!tpu.dma_semaphore, #tpu.memory_space<semaphore_mem>>) src(%dma_wait3A_623 : memref<8x128xf32, #tpu.memory_space<vmem>>) dst(%dma_wait3A_620 : memref<8x128xf32, #tpu.memory_space<hbm>>)
        %dma_wait3A_624 = arith.constant 0 : i32
        %dma_wait3A_625 = arith.constant 4 : i32
        %dma_wait3A_626 = arith.constant 32 : i32
        %dma_wait3A_627 = arith.constant 0 : i32
        %dma_wait3A_628 = tpu.memref_slice %arg9[%dma_wait3A_626, %dma_wait3A_627] : memref<64x129xf32, #tpu.memory_space<vmem>> -> memref<8x128xf32, #tpu.memory_space<vmem>>
        %dma_wait3A_629 = arith.constant 0 : i32
        %dma_wait3A_630 = arith.constant 0 : i32
        %dma_wait3A_631 = tpu.memref_slice %arg4[%dma_wait3A_624, %dma_wait3A_625, %add3A, %dma_wait3A_629, %dma_wait3A_630] : memref<200x8x32x8x128xf32, #tpu.memory_space<hbm>> -> memref<1x1x1x8x128xf32, #tpu.memory_space<hbm>>
        %dma_wait3A_632 = tpu.memref_squeeze %dma_wait3A_631 : memref<1x1x1x8x128xf32, #tpu.memory_space<hbm>> -> memref<8x128xf32, #tpu.memory_space<hbm>>
        %dma_wait3A_633 = arith.constant 0 : i32
        %dma_wait3A_634 = arith.constant 0 : i32
        %dma_wait3A_635 = tpu.memref_slice %arg4[%dma_wait3A_624, %dma_wait3A_625, %add3A, %dma_wait3A_633, %dma_wait3A_634] : memref<200x8x32x8x128xf32, #tpu.memory_space<hbm>> -> memref<1x1x1x8x128xf32, #tpu.memory_space<hbm>>
        %dma_wait3A_636 = tpu.memref_squeeze %dma_wait3A_635 : memref<1x1x1x8x128xf32, #tpu.memory_space<hbm>> -> memref<8x128xf32, #tpu.memory_space<hbm>>
        %dma_wait3A_637 = arith.constant 32 : i32
        %dma_wait3A_638 = arith.constant 0 : i32
        %dma_wait3A_639 = tpu.memref_slice %arg9[%dma_wait3A_637, %dma_wait3A_638] : memref<64x129xf32, #tpu.memory_space<vmem>> -> memref<8x128xf32, #tpu.memory_space<vmem>>
        tpu.wait_dma2 semaphore(%arg13 : memref<!tpu.dma_semaphore, #tpu.memory_space<semaphore_mem>>) src(%dma_wait3A_639 : memref<8x128xf32, #tpu.memory_space<vmem>>) dst(%dma_wait3A_636 : memref<8x128xf32, #tpu.memory_space<hbm>>)
        %dma_wait3A_640 = arith.constant 0 : i32
        %dma_wait3A_641 = arith.constant 5 : i32
        %dma_wait3A_642 = arith.constant 40 : i32
        %dma_wait3A_643 = arith.constant 0 : i32
        %dma_wait3A_644 = tpu.memref_slice %arg9[%dma_wait3A_642, %dma_wait3A_643] : memref<64x129xf32, #tpu.memory_space<vmem>> -> memref<8x128xf32, #tpu.memory_space<vmem>>
        %dma_wait3A_645 = arith.constant 0 : i32
        %dma_wait3A_646 = arith.constant 0 : i32
        %dma_wait3A_647 = tpu.memref_slice %arg4[%dma_wait3A_640, %dma_wait3A_641, %add3A, %dma_wait3A_645, %dma_wait3A_646] : memref<200x8x32x8x128xf32, #tpu.memory_space<hbm>> -> memref<1x1x1x8x128xf32, #tpu.memory_space<hbm>>
        %dma_wait3A_648 = tpu.memref_squeeze %dma_wait3A_647 : memref<1x1x1x8x128xf32, #tpu.memory_space<hbm>> -> memref<8x128xf32, #tpu.memory_space<hbm>>
        %dma_wait3A_649 = arith.constant 0 : i32
        %dma_wait3A_650 = arith.constant 0 : i32
        %dma_wait3A_651 = tpu.memref_slice %arg4[%dma_wait3A_640, %dma_wait3A_641, %add3A, %dma_wait3A_649, %dma_wait3A_650] : memref<200x8x32x8x128xf32, #tpu.memory_space<hbm>> -> memref<1x1x1x8x128xf32, #tpu.memory_space<hbm>>
        %dma_wait3A_652 = tpu.memref_squeeze %dma_wait3A_651 : memref<1x1x1x8x128xf32, #tpu.memory_space<hbm>> -> memref<8x128xf32, #tpu.memory_space<hbm>>
        %dma_wait3A_653 = arith.constant 40 : i32
        %dma_wait3A_654 = arith.constant 0 : i32
        %dma_wait3A_655 = tpu.memref_slice %arg9[%dma_wait3A_653, %dma_wait3A_654] : memref<64x129xf32, #tpu.memory_space<vmem>> -> memref<8x128xf32, #tpu.memory_space<vmem>>
        tpu.wait_dma2 semaphore(%arg13 : memref<!tpu.dma_semaphore, #tpu.memory_space<semaphore_mem>>) src(%dma_wait3A_655 : memref<8x128xf32, #tpu.memory_space<vmem>>) dst(%dma_wait3A_652 : memref<8x128xf32, #tpu.memory_space<hbm>>)
        %dma_wait3A_656 = arith.constant 0 : i32
        %dma_wait3A_657 = arith.constant 6 : i32
        %dma_wait3A_658 = arith.constant 48 : i32
        %dma_wait3A_659 = arith.constant 0 : i32
        %dma_wait3A_660 = tpu.memref_slice %arg9[%dma_wait3A_658, %dma_wait3A_659] : memref<64x129xf32, #tpu.memory_space<vmem>> -> memref<8x128xf32, #tpu.memory_space<vmem>>
        %dma_wait3A_661 = arith.constant 0 : i32
        %dma_wait3A_662 = arith.constant 0 : i32
        %dma_wait3A_663 = tpu.memref_slice %arg4[%dma_wait3A_656, %dma_wait3A_657, %add3A, %dma_wait3A_661, %dma_wait3A_662] : memref<200x8x32x8x128xf32, #tpu.memory_space<hbm>> -> memref<1x1x1x8x128xf32, #tpu.memory_space<hbm>>
        %dma_wait3A_664 = tpu.memref_squeeze %dma_wait3A_663 : memref<1x1x1x8x128xf32, #tpu.memory_space<hbm>> -> memref<8x128xf32, #tpu.memory_space<hbm>>
        %dma_wait3A_665 = arith.constant 0 : i32
        %dma_wait3A_666 = arith.constant 0 : i32
        %dma_wait3A_667 = tpu.memref_slice %arg4[%dma_wait3A_656, %dma_wait3A_657, %add3A, %dma_wait3A_665, %dma_wait3A_666] : memref<200x8x32x8x128xf32, #tpu.memory_space<hbm>> -> memref<1x1x1x8x128xf32, #tpu.memory_space<hbm>>
        %dma_wait3A_668 = tpu.memref_squeeze %dma_wait3A_667 : memref<1x1x1x8x128xf32, #tpu.memory_space<hbm>> -> memref<8x128xf32, #tpu.memory_space<hbm>>
        %dma_wait3A_669 = arith.constant 48 : i32
        %dma_wait3A_670 = arith.constant 0 : i32
        %dma_wait3A_671 = tpu.memref_slice %arg9[%dma_wait3A_669, %dma_wait3A_670] : memref<64x129xf32, #tpu.memory_space<vmem>> -> memref<8x128xf32, #tpu.memory_space<vmem>>
        tpu.wait_dma2 semaphore(%arg13 : memref<!tpu.dma_semaphore, #tpu.memory_space<semaphore_mem>>) src(%dma_wait3A_671 : memref<8x128xf32, #tpu.memory_space<vmem>>) dst(%dma_wait3A_668 : memref<8x128xf32, #tpu.memory_space<hbm>>)
        %dma_wait3A_672 = arith.constant 0 : i32
        %dma_wait3A_673 = arith.constant 7 : i32
        %dma_wait3A_674 = arith.constant 56 : i32
        %dma_wait3A_675 = arith.constant 0 : i32
        %dma_wait3A_676 = tpu.memref_slice %arg9[%dma_wait3A_674, %dma_wait3A_675] : memref<64x129xf32, #tpu.memory_space<vmem>> -> memref<8x128xf32, #tpu.memory_space<vmem>>
        %dma_wait3A_677 = arith.constant 0 : i32
        %dma_wait3A_678 = arith.constant 0 : i32
        %dma_wait3A_679 = tpu.memref_slice %arg4[%dma_wait3A_672, %dma_wait3A_673, %add3A, %dma_wait3A_677, %dma_wait3A_678] : memref<200x8x32x8x128xf32, #tpu.memory_space<hbm>> -> memref<1x1x1x8x128xf32, #tpu.memory_space<hbm>>
        %dma_wait3A_680 = tpu.memref_squeeze %dma_wait3A_679 : memref<1x1x1x8x128xf32, #tpu.memory_space<hbm>> -> memref<8x128xf32, #tpu.memory_space<hbm>>
        %dma_wait3A_681 = arith.constant 0 : i32
        %dma_wait3A_682 = arith.constant 0 : i32
        %dma_wait3A_683 = tpu.memref_slice %arg4[%dma_wait3A_672, %dma_wait3A_673, %add3A, %dma_wait3A_681, %dma_wait3A_682] : memref<200x8x32x8x128xf32, #tpu.memory_space<hbm>> -> memref<1x1x1x8x128xf32, #tpu.memory_space<hbm>>
        %dma_wait3A_684 = tpu.memref_squeeze %dma_wait3A_683 : memref<1x1x1x8x128xf32, #tpu.memory_space<hbm>> -> memref<8x128xf32, #tpu.memory_space<hbm>>
        %dma_wait3A_685 = arith.constant 56 : i32
        %dma_wait3A_686 = arith.constant 0 : i32
        %dma_wait3A_687 = tpu.memref_slice %arg9[%dma_wait3A_685, %dma_wait3A_686] : memref<64x129xf32, #tpu.memory_space<vmem>> -> memref<8x128xf32, #tpu.memory_space<vmem>>
        tpu.wait_dma2 semaphore(%arg13 : memref<!tpu.dma_semaphore, #tpu.memory_space<semaphore_mem>>) src(%dma_wait3A_687 : memref<8x128xf32, #tpu.memory_space<vmem>>) dst(%dma_wait3A_684 : memref<8x128xf32, #tpu.memory_space<hbm>>)
      } else {
      }
      %parallel_loop3A_430 = arith.constant 0 : i32
      %parallel_loop3A_431 = arith.constant 128 : i32
      %parallel_loop3A_432 = arith.constant 1 : i32
      scf.for %parallel_loop3A_560 = %parallel_loop3A_430 to %parallel_loop3A_431 step %parallel_loop3A_432  : i32 {
        %parallel_loop3A_561 = vector.broadcast %parallel_loop3A_560 : i32 to vector<16xi32>
        %parallel_loop3A_562 = arith.constant 0 : i32
        %parallel_loop3A_563 = vector.broadcast %parallel_loop3A_562 : i32 to vector<16xi32>
        %parallel_loop3A_564 = arith.addi %iota3A, %parallel_loop3A_563 : vector<16xi32>
        %parallel_loop3A_565 = arith.index_cast %parallel_loop3A_560 : i32 to index
        %parallel_loop3A_566 = arith.constant 0 : index
        %parallel_loop3A_567 = tpu.vector_load %arg7[%parallel_loop3A_565, %parallel_loop3A_566] {strides = array<i32>} : memref<128x64xf32, #tpu.memory_space<vmem>>, vector<16xf32>,
        %parallel_loop3A_568 = arith.constant 1.250000e-01 : f32
        %parallel_loop3A_569 = vector.broadcast %parallel_loop3A_568 : f32 to vector<16xf32>
        %parallel_loop3A_570 = arith.mulf %parallel_loop3A_567, %parallel_loop3A_569 : vector<16xf32>
        tpu.vector_store_idx %arg9[%parallel_loop3A_564, %parallel_loop3A_561], %parallel_loop3A_570 : memref<64x129xf32, #tpu.memory_space<vmem>>[vector<16xi32>, vector<16xi32>], vector<16xf32>,
        %parallel_loop3A_571 = arith.constant 16 : i32
        %parallel_loop3A_572 = vector.broadcast %parallel_loop3A_571 : i32 to vector<16xi32>
        %parallel_loop3A_573 = arith.addi %iota3A, %parallel_loop3A_572 : vector<16xi32>
        %parallel_loop3A_574 = arith.index_cast %parallel_loop3A_560 : i32 to index
        %parallel_loop3A_575 = arith.constant 16 : index
        %parallel_loop3A_576 = tpu.vector_load %arg7[%parallel_loop3A_574, %parallel_loop3A_575] {strides = array<i32>} : memref<128x64xf32, #tpu.memory_space<vmem>>, vector<16xf32>,
        %parallel_loop3A_577 = arith.constant 1.250000e-01 : f32
        %parallel_loop3A_578 = vector.broadcast %parallel_loop3A_577 : f32 to vector<16xf32>
        %parallel_loop3A_579 = arith.mulf %parallel_loop3A_576, %parallel_loop3A_578 : vector<16xf32>
        tpu.vector_store_idx %arg9[%parallel_loop3A_573, %parallel_loop3A_561], %parallel_loop3A_579 : memref<64x129xf32, #tpu.memory_space<vmem>>[vector<16xi32>, vector<16xi32>], vector<16xf32>,
        %parallel_loop3A_580 = arith.constant 32 : i32
        %parallel_loop3A_581 = vector.broadcast %parallel_loop3A_580 : i32 to vector<16xi32>
        %parallel_loop3A_582 = arith.addi %iota3A, %parallel_loop3A_581 : vector<16xi32>
        %parallel_loop3A_583 = arith.index_cast %parallel_loop3A_560 : i32 to index
        %parallel_loop3A_584 = arith.constant 32 : index
        %parallel_loop3A_585 = tpu.vector_load %arg7[%parallel_loop3A_583, %parallel_loop3A_584] {strides = array<i32>} : memref<128x64xf32, #tpu.memory_space<vmem>>, vector<16xf32>,
        %parallel_loop3A_586 = arith.constant 1.250000e-01 : f32
        %parallel_loop3A_587 = vector.broadcast %parallel_loop3A_586 : f32 to vector<16xf32>
        %parallel_loop3A_588 = arith.mulf %parallel_loop3A_585, %parallel_loop3A_587 : vector<16xf32>
        tpu.vector_store_idx %arg9[%parallel_loop3A_582, %parallel_loop3A_561], %parallel_loop3A_588 : memref<64x129xf32, #tpu.memory_space<vmem>>[vector<16xi32>, vector<16xi32>], vector<16xf32>,
        %parallel_loop3A_589 = arith.constant 48 : i32
        %parallel_loop3A_590 = vector.broadcast %parallel_loop3A_589 : i32 to vector<16xi32>
        %parallel_loop3A_591 = arith.addi %iota3A, %parallel_loop3A_590 : vector<16xi32>
        %parallel_loop3A_592 = arith.index_cast %parallel_loop3A_560 : i32 to index
        %parallel_loop3A_593 = arith.constant 48 : index
        %parallel_loop3A_594 = tpu.vector_load %arg7[%parallel_loop3A_592, %parallel_loop3A_593] {strides = array<i32>} : memref<128x64xf32, #tpu.memory_space<vmem>>, vector<16xf32>,
        %parallel_loop3A_595 = arith.constant 1.250000e-01 : f32
        %parallel_loop3A_596 = vector.broadcast %parallel_loop3A_595 : f32 to vector<16xf32>
        %parallel_loop3A_597 = arith.mulf %parallel_loop3A_594, %parallel_loop3A_596 : vector<16xf32>
        tpu.vector_store_idx %arg9[%parallel_loop3A_591, %parallel_loop3A_561], %parallel_loop3A_597 : memref<64x129xf32, #tpu.memory_space<vmem>>[vector<16xi32>, vector<16xi32>], vector<16xf32>,
      } {sc.loop_unroll_factor = 2 : i64, sc.parallel_access}
      %dma_start3A_433 = arith.constant 0 : i32
      %dma_start3A_434 = arith.constant 0 : i32
      %dma_start3A_435 = arith.constant 0 : i32
      %dma_start3A_436 = tpu.memref_slice %arg9[%dma_start3A_434, %dma_start3A_435] : memref<64x129xf32, #tpu.memory_space<vmem>> -> memref<8x128xf32, #tpu.memory_space<vmem>>
      %dma_start3A_437 = arith.constant 0 : i32
      %dma_start3A_438 = arith.constant 0 : i32
      %dma_start3A_439 = tpu.memref_slice %arg4[%add3A_418, %dma_start3A_433, %add3A, %dma_start3A_437, %dma_start3A_438] : memref<200x8x32x8x128xf32, #tpu.memory_space<hbm>> -> memref<1x1x1x8x128xf32, #tpu.memory_space<hbm>>
      %dma_start3A_440 = tpu.memref_squeeze %dma_start3A_439 : memref<1x1x1x8x128xf32, #tpu.memory_space<hbm>> -> memref<8x128xf32, #tpu.memory_space<hbm>>
      %dma_start3A_441 = arith.constant 0 : i32
      %dma_start3A_442 = arith.constant 0 : i32
      %dma_start3A_443 = tpu.memref_slice %arg4[%add3A_418, %dma_start3A_433, %add3A, %dma_start3A_441, %dma_start3A_442] : memref<200x8x32x8x128xf32, #tpu.memory_space<hbm>> -> memref<1x1x1x8x128xf32, #tpu.memory_space<hbm>>
      %dma_start3A_444 = tpu.memref_squeeze %dma_start3A_443 : memref<1x1x1x8x128xf32, #tpu.memory_space<hbm>> -> memref<8x128xf32, #tpu.memory_space<hbm>>
      %dma_start3A_445 = arith.constant 0 : i32
      %dma_start3A_446 = arith.constant 0 : i32
      %dma_start3A_447 = tpu.memref_slice %arg9[%dma_start3A_445, %dma_start3A_446] : memref<64x129xf32, #tpu.memory_space<vmem>> -> memref<8x128xf32, #tpu.memory_space<vmem>>
      tpu.enqueue_dma source(%dma_start3A_447 : memref<8x128xf32, #tpu.memory_space<vmem>>) target(%dma_start3A_444 : memref<8x128xf32, #tpu.memory_space<hbm>>) target_semaphore(%arg13 : memref<!tpu.dma_semaphore, #tpu.memory_space<semaphore_mem>>)
      %dma_start3A_448 = arith.constant 1 : i32
      %dma_start3A_449 = arith.constant 8 : i32
      %dma_start3A_450 = arith.constant 0 : i32
      %dma_start3A_451 = tpu.memref_slice %arg9[%dma_start3A_449, %dma_start3A_450] : memref<64x129xf32, #tpu.memory_space<vmem>> -> memref<8x128xf32, #tpu.memory_space<vmem>>
      %dma_start3A_452 = arith.constant 0 : i32
      %dma_start3A_453 = arith.constant 0 : i32
      %dma_start3A_454 = tpu.memref_slice %arg4[%add3A_418, %dma_start3A_448, %add3A, %dma_start3A_452, %dma_start3A_453] : memref<200x8x32x8x128xf32, #tpu.memory_space<hbm>> -> memref<1x1x1x8x128xf32, #tpu.memory_space<hbm>>
      %dma_start3A_455 = tpu.memref_squeeze %dma_start3A_454 : memref<1x1x1x8x128xf32, #tpu.memory_space<hbm>> -> memref<8x128xf32, #tpu.memory_space<hbm>>
      %dma_start3A_456 = arith.constant 0 : i32
      %dma_start3A_457 = arith.constant 0 : i32
      %dma_start3A_458 = tpu.memref_slice %arg4[%add3A_418, %dma_start3A_448, %add3A, %dma_start3A_456, %dma_start3A_457] : memref<200x8x32x8x128xf32, #tpu.memory_space<hbm>> -> memref<1x1x1x8x128xf32, #tpu.memory_space<hbm>>
      %dma_start3A_459 = tpu.memref_squeeze %dma_start3A_458 : memref<1x1x1x8x128xf32, #tpu.memory_space<hbm>> -> memref<8x128xf32, #tpu.memory_space<hbm>>
      %dma_start3A_460 = arith.constant 8 : i32
      %dma_start3A_461 = arith.constant 0 : i32
      %dma_start3A_462 = tpu.memref_slice %arg9[%dma_start3A_460, %dma_start3A_461] : memref<64x129xf32, #tpu.memory_space<vmem>> -> memref<8x128xf32, #tpu.memory_space<vmem>>
      tpu.enqueue_dma source(%dma_start3A_462 : memref<8x128xf32, #tpu.memory_space<vmem>>) target(%dma_start3A_459 : memref<8x128xf32, #tpu.memory_space<hbm>>) target_semaphore(%arg13 : memref<!tpu.dma_semaphore, #tpu.memory_space<semaphore_mem>>)
      %dma_start3A_463 = arith.constant 2 : i32
      %dma_start3A_464 = arith.constant 16 : i32
      %dma_start3A_465 = arith.constant 0 : i32
      %dma_start3A_466 = tpu.memref_slice %arg9[%dma_start3A_464, %dma_start3A_465] : memref<64x129xf32, #tpu.memory_space<vmem>> -> memref<8x128xf32, #tpu.memory_space<vmem>>
      %dma_start3A_467 = arith.constant 0 : i32
      %dma_start3A_468 = arith.constant 0 : i32
      %dma_start3A_469 = tpu.memref_slice %arg4[%add3A_418, %dma_start3A_463, %add3A, %dma_start3A_467, %dma_start3A_468] : memref<200x8x32x8x128xf32, #tpu.memory_space<hbm>> -> memref<1x1x1x8x128xf32, #tpu.memory_space<hbm>>
      %dma_start3A_470 = tpu.memref_squeeze %dma_start3A_469 : memref<1x1x1x8x128xf32, #tpu.memory_space<hbm>> -> memref<8x128xf32, #tpu.memory_space<hbm>>
      %dma_start3A_471 = arith.constant 0 : i32
      %dma_start3A_472 = arith.constant 0 : i32
      %dma_start3A_473 = tpu.memref_slice %arg4[%add3A_418, %dma_start3A_463, %add3A, %dma_start3A_471, %dma_start3A_472] : memref<200x8x32x8x128xf32, #tpu.memory_space<hbm>> -> memref<1x1x1x8x128xf32, #tpu.memory_space<hbm>>
      %dma_start3A_474 = tpu.memref_squeeze %dma_start3A_473 : memref<1x1x1x8x128xf32, #tpu.memory_space<hbm>> -> memref<8x128xf32, #tpu.memory_space<hbm>>
      %dma_start3A_475 = arith.constant 16 : i32
      %dma_start3A_476 = arith.constant 0 : i32
      %dma_start3A_477 = tpu.memref_slice %arg9[%dma_start3A_475, %dma_start3A_476] : memref<64x129xf32, #tpu.memory_space<vmem>> -> memref<8x128xf32, #tpu.memory_space<vmem>>
      tpu.enqueue_dma source(%dma_start3A_477 : memref<8x128xf32, #tpu.memory_space<vmem>>) target(%dma_start3A_474 : memref<8x128xf32, #tpu.memory_space<hbm>>) target_semaphore(%arg13 : memref<!tpu.dma_semaphore, #tpu.memory_space<semaphore_mem>>)
      %dma_start3A_478 = arith.constant 3 : i32
      %dma_start3A_479 = arith.constant 24 : i32
      %dma_start3A_480 = arith.constant 0 : i32
      %dma_start3A_481 = tpu.memref_slice %arg9[%dma_start3A_479, %dma_start3A_480] : memref<64x129xf32, #tpu.memory_space<vmem>> -> memref<8x128xf32, #tpu.memory_space<vmem>>
      %dma_start3A_482 = arith.constant 0 : i32
      %dma_start3A_483 = arith.constant 0 : i32
      %dma_start3A_484 = tpu.memref_slice %arg4[%add3A_418, %dma_start3A_478, %add3A, %dma_start3A_482, %dma_start3A_483] : memref<200x8x32x8x128xf32, #tpu.memory_space<hbm>> -> memref<1x1x1x8x128xf32, #tpu.memory_space<hbm>>
      %dma_start3A_485 = tpu.memref_squeeze %dma_start3A_484 : memref<1x1x1x8x128xf32, #tpu.memory_space<hbm>> -> memref<8x128xf32, #tpu.memory_space<hbm>>
      %dma_start3A_486 = arith.constant 0 : i32
      %dma_start3A_487 = arith.constant 0 : i32
      %dma_start3A_488 = tpu.memref_slice %arg4[%add3A_418, %dma_start3A_478, %add3A, %dma_start3A_486, %dma_start3A_487] : memref<200x8x32x8x128xf32, #tpu.memory_space<hbm>> -> memref<1x1x1x8x128xf32, #tpu.memory_space<hbm>>
      %dma_start3A_489 = tpu.memref_squeeze %dma_start3A_488 : memref<1x1x1x8x128xf32, #tpu.memory_space<hbm>> -> memref<8x128xf32, #tpu.memory_space<hbm>>
      %dma_start3A_490 = arith.constant 24 : i32
      %dma_start3A_491 = arith.constant 0 : i32
      %dma_start3A_492 = tpu.memref_slice %arg9[%dma_start3A_490, %dma_start3A_491] : memref<64x129xf32, #tpu.memory_space<vmem>> -> memref<8x128xf32, #tpu.memory_space<vmem>>
      tpu.enqueue_dma source(%dma_start3A_492 : memref<8x128xf32, #tpu.memory_space<vmem>>) target(%dma_start3A_489 : memref<8x128xf32, #tpu.memory_space<hbm>>) target_semaphore(%arg13 : memref<!tpu.dma_semaphore, #tpu.memory_space<semaphore_mem>>)
      %dma_start3A_493 = arith.constant 4 : i32
      %dma_start3A_494 = arith.constant 32 : i32
      %dma_start3A_495 = arith.constant 0 : i32
      %dma_start3A_496 = tpu.memref_slice %arg9[%dma_start3A_494, %dma_start3A_495] : memref<64x129xf32, #tpu.memory_space<vmem>> -> memref<8x128xf32, #tpu.memory_space<vmem>>
      %dma_start3A_497 = arith.constant 0 : i32
      %dma_start3A_498 = arith.constant 0 : i32
      %dma_start3A_499 = tpu.memref_slice %arg4[%add3A_418, %dma_start3A_493, %add3A, %dma_start3A_497, %dma_start3A_498] : memref<200x8x32x8x128xf32, #tpu.memory_space<hbm>> -> memref<1x1x1x8x128xf32, #tpu.memory_space<hbm>>
      %dma_start3A_500 = tpu.memref_squeeze %dma_start3A_499 : memref<1x1x1x8x128xf32, #tpu.memory_space<hbm>> -> memref<8x128xf32, #tpu.memory_space<hbm>>
      %dma_start3A_501 = arith.constant 0 : i32
      %dma_start3A_502 = arith.constant 0 : i32
      %dma_start3A_503 = tpu.memref_slice %arg4[%add3A_418, %dma_start3A_493, %add3A, %dma_start3A_501, %dma_start3A_502] : memref<200x8x32x8x128xf32, #tpu.memory_space<hbm>> -> memref<1x1x1x8x128xf32, #tpu.memory_space<hbm>>
      %dma_start3A_504 = tpu.memref_squeeze %dma_start3A_503 : memref<1x1x1x8x128xf32, #tpu.memory_space<hbm>> -> memref<8x128xf32, #tpu.memory_space<hbm>>
      %dma_start3A_505 = arith.constant 32 : i32
      %dma_start3A_506 = arith.constant 0 : i32
      %dma_start3A_507 = tpu.memref_slice %arg9[%dma_start3A_505, %dma_start3A_506] : memref<64x129xf32, #tpu.memory_space<vmem>> -> memref<8x128xf32, #tpu.memory_space<vmem>>
      tpu.enqueue_dma source(%dma_start3A_507 : memref<8x128xf32, #tpu.memory_space<vmem>>) target(%dma_start3A_504 : memref<8x128xf32, #tpu.memory_space<hbm>>) target_semaphore(%arg13 : memref<!tpu.dma_semaphore, #tpu.memory_space<semaphore_mem>>)
      %dma_start3A_508 = arith.constant 5 : i32
      %dma_start3A_509 = arith.constant 40 : i32
      %dma_start3A_510 = arith.constant 0 : i32
      %dma_start3A_511 = tpu.memref_slice %arg9[%dma_start3A_509, %dma_start3A_510] : memref<64x129xf32, #tpu.memory_space<vmem>> -> memref<8x128xf32, #tpu.memory_space<vmem>>
      %dma_start3A_512 = arith.constant 0 : i32
      %dma_start3A_513 = arith.constant 0 : i32
      %dma_start3A_514 = tpu.memref_slice %arg4[%add3A_418, %dma_start3A_508, %add3A, %dma_start3A_512, %dma_start3A_513] : memref<200x8x32x8x128xf32, #tpu.memory_space<hbm>> -> memref<1x1x1x8x128xf32, #tpu.memory_space<hbm>>
      %dma_start3A_515 = tpu.memref_squeeze %dma_start3A_514 : memref<1x1x1x8x128xf32, #tpu.memory_space<hbm>> -> memref<8x128xf32, #tpu.memory_space<hbm>>
      %dma_start3A_516 = arith.constant 0 : i32
      %dma_start3A_517 = arith.constant 0 : i32
      %dma_start3A_518 = tpu.memref_slice %arg4[%add3A_418, %dma_start3A_508, %add3A, %dma_start3A_516, %dma_start3A_517] : memref<200x8x32x8x128xf32, #tpu.memory_space<hbm>> -> memref<1x1x1x8x128xf32, #tpu.memory_space<hbm>>
      %dma_start3A_519 = tpu.memref_squeeze %dma_start3A_518 : memref<1x1x1x8x128xf32, #tpu.memory_space<hbm>> -> memref<8x128xf32, #tpu.memory_space<hbm>>
      %dma_start3A_520 = arith.constant 40 : i32
      %dma_start3A_521 = arith.constant 0 : i32
      %dma_start3A_522 = tpu.memref_slice %arg9[%dma_start3A_520, %dma_start3A_521] : memref<64x129xf32, #tpu.memory_space<vmem>> -> memref<8x128xf32, #tpu.memory_space<vmem>>
      tpu.enqueue_dma source(%dma_start3A_522 : memref<8x128xf32, #tpu.memory_space<vmem>>) target(%dma_start3A_519 : memref<8x128xf32, #tpu.memory_space<hbm>>) target_semaphore(%arg13 : memref<!tpu.dma_semaphore, #tpu.memory_space<semaphore_mem>>)
      %dma_start3A_523 = arith.constant 6 : i32
      %dma_start3A_524 = arith.constant 48 : i32
      %dma_start3A_525 = arith.constant 0 : i32
      %dma_start3A_526 = tpu.memref_slice %arg9[%dma_start3A_524, %dma_start3A_525] : memref<64x129xf32, #tpu.memory_space<vmem>> -> memref<8x128xf32, #tpu.memory_space<vmem>>
      %dma_start3A_527 = arith.constant 0 : i32
      %dma_start3A_528 = arith.constant 0 : i32
      %dma_start3A_529 = tpu.memref_slice %arg4[%add3A_418, %dma_start3A_523, %add3A, %dma_start3A_527, %dma_start3A_528] : memref<200x8x32x8x128xf32, #tpu.memory_space<hbm>> -> memref<1x1x1x8x128xf32, #tpu.memory_space<hbm>>
      %dma_start3A_530 = tpu.memref_squeeze %dma_start3A_529 : memref<1x1x1x8x128xf32, #tpu.memory_space<hbm>> -> memref<8x128xf32, #tpu.memory_space<hbm>>
      %dma_start3A_531 = arith.constant 0 : i32
      %dma_start3A_532 = arith.constant 0 : i32
      %dma_start3A_533 = tpu.memref_slice %arg4[%add3A_418, %dma_start3A_523, %add3A, %dma_start3A_531, %dma_start3A_532] : memref<200x8x32x8x128xf32, #tpu.memory_space<hbm>> -> memref<1x1x1x8x128xf32, #tpu.memory_space<hbm>>
      %dma_start3A_534 = tpu.memref_squeeze %dma_start3A_533 : memref<1x1x1x8x128xf32, #tpu.memory_space<hbm>> -> memref<8x128xf32, #tpu.memory_space<hbm>>
      %dma_start3A_535 = arith.constant 48 : i32
      %dma_start3A_536 = arith.constant 0 : i32
      %dma_start3A_537 = tpu.memref_slice %arg9[%dma_start3A_535, %dma_start3A_536] : memref<64x129xf32, #tpu.memory_space<vmem>> -> memref<8x128xf32, #tpu.memory_space<vmem>>
      tpu.enqueue_dma source(%dma_start3A_537 : memref<8x128xf32, #tpu.memory_space<vmem>>) target(%dma_start3A_534 : memref<8x128xf32, #tpu.memory_space<hbm>>) target_semaphore(%arg13 : memref<!tpu.dma_semaphore, #tpu.memory_space<semaphore_mem>>)
      %dma_start3A_538 = arith.constant 7 : i32
      %dma_start3A_539 = arith.constant 56 : i32
      %dma_start3A_540 = arith.constant 0 : i32
      %dma_start3A_541 = tpu.memref_slice %arg9[%dma_start3A_539, %dma_start3A_540] : memref<64x129xf32, #tpu.memory_space<vmem>> -> memref<8x128xf32, #tpu.memory_space<vmem>>
      %dma_start3A_542 = arith.constant 0 : i32
      %dma_start3A_543 = arith.constant 0 : i32
      %dma_start3A_544 = tpu.memref_slice %arg4[%add3A_418, %dma_start3A_538, %add3A, %dma_start3A_542, %dma_start3A_543] : memref<200x8x32x8x128xf32, #tpu.memory_space<hbm>> -> memref<1x1x1x8x128xf32, #tpu.memory_space<hbm>>
      %dma_start3A_545 = tpu.memref_squeeze %dma_start3A_544 : memref<1x1x1x8x128xf32, #tpu.memory_space<hbm>> -> memref<8x128xf32, #tpu.memory_space<hbm>>
      %dma_start3A_546 = arith.constant 0 : i32
      %dma_start3A_547 = arith.constant 0 : i32
      %dma_start3A_548 = tpu.memref_slice %arg4[%add3A_418, %dma_start3A_538, %add3A, %dma_start3A_546, %dma_start3A_547] : memref<200x8x32x8x128xf32, #tpu.memory_space<hbm>> -> memref<1x1x1x8x128xf32, #tpu.memory_space<hbm>>
      %dma_start3A_549 = tpu.memref_squeeze %dma_start3A_548 : memref<1x1x1x8x128xf32, #tpu.memory_space<hbm>> -> memref<8x128xf32, #tpu.memory_space<hbm>>
      %dma_start3A_550 = arith.constant 56 : i32
      %dma_start3A_551 = arith.constant 0 : i32
      %dma_start3A_552 = tpu.memref_slice %arg9[%dma_start3A_550, %dma_start3A_551] : memref<64x129xf32, #tpu.memory_space<vmem>> -> memref<8x128xf32, #tpu.memory_space<vmem>>
      tpu.enqueue_dma source(%dma_start3A_552 : memref<8x128xf32, #tpu.memory_space<vmem>>) target(%dma_start3A_549 : memref<8x128xf32, #tpu.memory_space<hbm>>) target_semaphore(%arg13 : memref<!tpu.dma_semaphore, #tpu.memory_space<semaphore_mem>>)
      %add3A_553 = arith.constant 2 : i32
      %add3A_554 = arith.addi %add3A_418, %add3A_553 : i32
      %lt3A_555 = arith.constant 200 : i32
      %lt3A_556 = arith.cmpi slt, %add3A_554, %lt3A_555 : i32
      %convert_element_type3A_557 = arith.extui %lt3A_556 : i1 to i32
      %cond3A_558 = arith.constant 0 : i32
      %cond3A_559 = arith.cmpi ne, %convert_element_type3A_557, %cond3A_558 : i32
      scf.if %cond3A_559 {
        %add3A_560 = arith.constant 2 : i32
        %add3A_561 = arith.addi %add3A_418, %add3A_560 : i32
        %dma_start3A_562 = arith.constant 0 : i32
        %dma_start3A_563 = tpu.memref_slice %arg5[%add3A_561, %dma_start3A_562] : memref<200x128xi32, #tpu.memory_space<vmem>> -> memref<1x128xi32, #tpu.memory_space<vmem>>
        %dma_start3A_564 = tpu.memref_squeeze %dma_start3A_563 : memref<1x128xi32, #tpu.memory_space<vmem>> -> memref<128xi32, #tpu.memory_space<vmem>>
        %dma_start3A_565 = arith.constant 0 : i32
        %dma_start3A_566 = arith.constant 0 : i32
        %dma_start3A_567 = tpu.memref_slice %arg2[%dma_start3A_565, %dma_start3A_566] : memref<1000000x64xf32, #tpu.memory_space<hbm>> -> memref<1000000x64xf32, #tpu.memory_space<hbm>>
        tpu.enqueue_indirect_dma source(%dma_start3A_567 : memref<1000000x64xf32, #tpu.memory_space<hbm>>) target(%arg7 : memref<128x64xf32, #tpu.memory_space<vmem>>) offsets(%dma_start3A_564 : memref<128xi32, #tpu.memory_space<vmem>>) semaphore(%arg11 : memref<!tpu.dma_semaphore, #tpu.memory_space<semaphore_mem>>)
      } else {
      }
    }
    %scan3A_18 = arith.constant 100 : i32
    %dma_wait3A = arith.constant 0 : i32
    %dma_wait3A_19 = arith.constant 0 : i32
    %dma_wait3A_20 = arith.constant 0 : i32
    %dma_wait3A_21 = arith.constant 0 : i32
    %dma_wait3A_22 = tpu.memref_slice %arg8[%dma_wait3A_20, %dma_wait3A_21] : memref<64x129xf32, #tpu.memory_space<vmem>> -> memref<8x128xf32, #tpu.memory_space<vmem>>
    %dma_wait3A_23 = arith.constant 0 : i32
    %dma_wait3A_24 = arith.constant 0 : i32
    %dma_wait3A_25 = tpu.memref_slice %arg4[%dma_wait3A, %dma_wait3A_19, %add3A, %dma_wait3A_23, %dma_wait3A_24] : memref<200x8x32x8x128xf32, #tpu.memory_space<hbm>> -> memref<1x1x1x8x128xf32, #tpu.memory_space<hbm>>
    %dma_wait3A_26 = tpu.memref_squeeze %dma_wait3A_25 : memref<1x1x1x8x128xf32, #tpu.memory_space<hbm>> -> memref<8x128xf32, #tpu.memory_space<hbm>>
    %dma_wait3A_27 = arith.constant 0 : i32
    %dma_wait3A_28 = arith.constant 0 : i32
    %dma_wait3A_29 = tpu.memref_slice %arg4[%dma_wait3A, %dma_wait3A_19, %add3A, %dma_wait3A_27, %dma_wait3A_28] : memref<200x8x32x8x128xf32, #tpu.memory_space<hbm>> -> memref<1x1x1x8x128xf32, #tpu.memory_space<hbm>>
    %dma_wait3A_30 = tpu.memref_squeeze %dma_wait3A_29 : memref<1x1x1x8x128xf32, #tpu.memory_space<hbm>> -> memref<8x128xf32, #tpu.memory_space<hbm>>
    %dma_wait3A_31 = arith.constant 0 : i32
    %dma_wait3A_32 = arith.constant 0 : i32
    %dma_wait3A_33 = tpu.memref_slice %arg8[%dma_wait3A_31, %dma_wait3A_32] : memref<64x129xf32, #tpu.memory_space<vmem>> -> memref<8x128xf32, #tpu.memory_space<vmem>>
    tpu.wait_dma2 semaphore(%arg12 : memref<!tpu.dma_semaphore, #tpu.memory_space<semaphore_mem>>) src(%dma_wait3A_33 : memref<8x128xf32, #tpu.memory_space<vmem>>) dst(%dma_wait3A_30 : memref<8x128xf32, #tpu.memory_space<hbm>>)
    %dma_wait3A_34 = arith.constant 0 : i32
    %dma_wait3A_35 = arith.constant 1 : i32
    %dma_wait3A_36 = arith.constant 8 : i32
    %dma_wait3A_37 = arith.constant 0 : i32
    %dma_wait3A_38 = tpu.memref_slice %arg8[%dma_wait3A_36, %dma_wait3A_37] : memref<64x129xf32, #tpu.memory_space<vmem>> -> memref<8x128xf32, #tpu.memory_space<vmem>>
    %dma_wait3A_39 = arith.constant 0 : i32
    %dma_wait3A_40 = arith.constant 0 : i32
    %dma_wait3A_41 = tpu.memref_slice %arg4[%dma_wait3A_34, %dma_wait3A_35, %add3A, %dma_wait3A_39, %dma_wait3A_40] : memref<200x8x32x8x128xf32, #tpu.memory_space<hbm>> -> memref<1x1x1x8x128xf32, #tpu.memory_space<hbm>>
    %dma_wait3A_42 = tpu.memref_squeeze %dma_wait3A_41 : memref<1x1x1x8x128xf32, #tpu.memory_space<hbm>> -> memref<8x128xf32, #tpu.memory_space<hbm>>
    %dma_wait3A_43 = arith.constant 0 : i32
    %dma_wait3A_44 = arith.constant 0 : i32
    %dma_wait3A_45 = tpu.memref_slice %arg4[%dma_wait3A_34, %dma_wait3A_35, %add3A, %dma_wait3A_43, %dma_wait3A_44] : memref<200x8x32x8x128xf32, #tpu.memory_space<hbm>> -> memref<1x1x1x8x128xf32, #tpu.memory_space<hbm>>
    %dma_wait3A_46 = tpu.memref_squeeze %dma_wait3A_45 : memref<1x1x1x8x128xf32, #tpu.memory_space<hbm>> -> memref<8x128xf32, #tpu.memory_space<hbm>>
    %dma_wait3A_47 = arith.constant 8 : i32
    %dma_wait3A_48 = arith.constant 0 : i32
    %dma_wait3A_49 = tpu.memref_slice %arg8[%dma_wait3A_47, %dma_wait3A_48] : memref<64x129xf32, #tpu.memory_space<vmem>> -> memref<8x128xf32, #tpu.memory_space<vmem>>
    tpu.wait_dma2 semaphore(%arg12 : memref<!tpu.dma_semaphore, #tpu.memory_space<semaphore_mem>>) src(%dma_wait3A_49 : memref<8x128xf32, #tpu.memory_space<vmem>>) dst(%dma_wait3A_46 : memref<8x128xf32, #tpu.memory_space<hbm>>)
    %dma_wait3A_50 = arith.constant 0 : i32
    %dma_wait3A_51 = arith.constant 2 : i32
    %dma_wait3A_52 = arith.constant 16 : i32
    %dma_wait3A_53 = arith.constant 0 : i32
    %dma_wait3A_54 = tpu.memref_slice %arg8[%dma_wait3A_52, %dma_wait3A_53] : memref<64x129xf32, #tpu.memory_space<vmem>> -> memref<8x128xf32, #tpu.memory_space<vmem>>
    %dma_wait3A_55 = arith.constant 0 : i32
    %dma_wait3A_56 = arith.constant 0 : i32
    %dma_wait3A_57 = tpu.memref_slice %arg4[%dma_wait3A_50, %dma_wait3A_51, %add3A, %dma_wait3A_55, %dma_wait3A_56] : memref<200x8x32x8x128xf32, #tpu.memory_space<hbm>> -> memref<1x1x1x8x128xf32, #tpu.memory_space<hbm>>
    %dma_wait3A_58 = tpu.memref_squeeze %dma_wait3A_57 : memref<1x1x1x8x128xf32, #tpu.memory_space<hbm>> -> memref<8x128xf32, #tpu.memory_space<hbm>>
    %dma_wait3A_59 = arith.constant 0 : i32
    %dma_wait3A_60 = arith.constant 0 : i32
    %dma_wait3A_61 = tpu.memref_slice %arg4[%dma_wait3A_50, %dma_wait3A_51, %add3A, %dma_wait3A_59, %dma_wait3A_60] : memref<200x8x32x8x128xf32, #tpu.memory_space<hbm>> -> memref<1x1x1x8x128xf32, #tpu.memory_space<hbm>>
    %dma_wait3A_62 = tpu.memref_squeeze %dma_wait3A_61 : memref<1x1x1x8x128xf32, #tpu.memory_space<hbm>> -> memref<8x128xf32, #tpu.memory_space<hbm>>
    %dma_wait3A_63 = arith.constant 16 : i32
    %dma_wait3A_64 = arith.constant 0 : i32
    %dma_wait3A_65 = tpu.memref_slice %arg8[%dma_wait3A_63, %dma_wait3A_64] : memref<64x129xf32, #tpu.memory_space<vmem>> -> memref<8x128xf32, #tpu.memory_space<vmem>>
    tpu.wait_dma2 semaphore(%arg12 : memref<!tpu.dma_semaphore, #tpu.memory_space<semaphore_mem>>) src(%dma_wait3A_65 : memref<8x128xf32, #tpu.memory_space<vmem>>) dst(%dma_wait3A_62 : memref<8x128xf32, #tpu.memory_space<hbm>>)
    %dma_wait3A_66 = arith.constant 0 : i32
    %dma_wait3A_67 = arith.constant 3 : i32
    %dma_wait3A_68 = arith.constant 24 : i32
    %dma_wait3A_69 = arith.constant 0 : i32
    %dma_wait3A_70 = tpu.memref_slice %arg8[%dma_wait3A_68, %dma_wait3A_69] : memref<64x129xf32, #tpu.memory_space<vmem>> -> memref<8x128xf32, #tpu.memory_space<vmem>>
    %dma_wait3A_71 = arith.constant 0 : i32
    %dma_wait3A_72 = arith.constant 0 : i32
    %dma_wait3A_73 = tpu.memref_slice %arg4[%dma_wait3A_66, %dma_wait3A_67, %add3A, %dma_wait3A_71, %dma_wait3A_72] : memref<200x8x32x8x128xf32, #tpu.memory_space<hbm>> -> memref<1x1x1x8x128xf32, #tpu.memory_space<hbm>>
    %dma_wait3A_74 = tpu.memref_squeeze %dma_wait3A_73 : memref<1x1x1x8x128xf32, #tpu.memory_space<hbm>> -> memref<8x128xf32, #tpu.memory_space<hbm>>
    %dma_wait3A_75 = arith.constant 0 : i32
    %dma_wait3A_76 = arith.constant 0 : i32
    %dma_wait3A_77 = tpu.memref_slice %arg4[%dma_wait3A_66, %dma_wait3A_67, %add3A, %dma_wait3A_75, %dma_wait3A_76] : memref<200x8x32x8x128xf32, #tpu.memory_space<hbm>> -> memref<1x1x1x8x128xf32, #tpu.memory_space<hbm>>
    %dma_wait3A_78 = tpu.memref_squeeze %dma_wait3A_77 : memref<1x1x1x8x128xf32, #tpu.memory_space<hbm>> -> memref<8x128xf32, #tpu.memory_space<hbm>>
    %dma_wait3A_79 = arith.constant 24 : i32
    %dma_wait3A_80 = arith.constant 0 : i32
    %dma_wait3A_81 = tpu.memref_slice %arg8[%dma_wait3A_79, %dma_wait3A_80] : memref<64x129xf32, #tpu.memory_space<vmem>> -> memref<8x128xf32, #tpu.memory_space<vmem>>
    tpu.wait_dma2 semaphore(%arg12 : memref<!tpu.dma_semaphore, #tpu.memory_space<semaphore_mem>>) src(%dma_wait3A_81 : memref<8x128xf32, #tpu.memory_space<vmem>>) dst(%dma_wait3A_78 : memref<8x128xf32, #tpu.memory_space<hbm>>)
    %dma_wait3A_82 = arith.constant 0 : i32
    %dma_wait3A_83 = arith.constant 4 : i32
    %dma_wait3A_84 = arith.constant 32 : i32
    %dma_wait3A_85 = arith.constant 0 : i32
    %dma_wait3A_86 = tpu.memref_slice %arg8[%dma_wait3A_84, %dma_wait3A_85] : memref<64x129xf32, #tpu.memory_space<vmem>> -> memref<8x128xf32, #tpu.memory_space<vmem>>
    %dma_wait3A_87 = arith.constant 0 : i32
    %dma_wait3A_88 = arith.constant 0 : i32
    %dma_wait3A_89 = tpu.memref_slice %arg4[%dma_wait3A_82, %dma_wait3A_83, %add3A, %dma_wait3A_87, %dma_wait3A_88] : memref<200x8x32x8x128xf32, #tpu.memory_space<hbm>> -> memref<1x1x1x8x128xf32, #tpu.memory_space<hbm>>
    %dma_wait3A_90 = tpu.memref_squeeze %dma_wait3A_89 : memref<1x1x1x8x128xf32, #tpu.memory_space<hbm>> -> memref<8x128xf32, #tpu.memory_space<hbm>>
    %dma_wait3A_91 = arith.constant 0 : i32
    %dma_wait3A_92 = arith.constant 0 : i32
    %dma_wait3A_93 = tpu.memref_slice %arg4[%dma_wait3A_82, %dma_wait3A_83, %add3A, %dma_wait3A_91, %dma_wait3A_92] : memref<200x8x32x8x128xf32, #tpu.memory_space<hbm>> -> memref<1x1x1x8x128xf32, #tpu.memory_space<hbm>>
    %dma_wait3A_94 = tpu.memref_squeeze %dma_wait3A_93 : memref<1x1x1x8x128xf32, #tpu.memory_space<hbm>> -> memref<8x128xf32, #tpu.memory_space<hbm>>
    %dma_wait3A_95 = arith.constant 32 : i32
    %dma_wait3A_96 = arith.constant 0 : i32
    %dma_wait3A_97 = tpu.memref_slice %arg8[%dma_wait3A_95, %dma_wait3A_96] : memref<64x129xf32, #tpu.memory_space<vmem>> -> memref<8x128xf32, #tpu.memory_space<vmem>>
    tpu.wait_dma2 semaphore(%arg12 : memref<!tpu.dma_semaphore, #tpu.memory_space<semaphore_mem>>) src(%dma_wait3A_97 : memref<8x128xf32, #tpu.memory_space<vmem>>) dst(%dma_wait3A_94 : memref<8x128xf32, #tpu.memory_space<hbm>>)
    %dma_wait3A_98 = arith.constant 0 : i32
    %dma_wait3A_99 = arith.constant 5 : i32
    %dma_wait3A_100 = arith.constant 40 : i32
    %dma_wait3A_101 = arith.constant 0 : i32
    %dma_wait3A_102 = tpu.memref_slice %arg8[%dma_wait3A_100, %dma_wait3A_101] : memref<64x129xf32, #tpu.memory_space<vmem>> -> memref<8x128xf32, #tpu.memory_space<vmem>>
    %dma_wait3A_103 = arith.constant 0 : i32
    %dma_wait3A_104 = arith.constant 0 : i32
    %dma_wait3A_105 = tpu.memref_slice %arg4[%dma_wait3A_98, %dma_wait3A_99, %add3A, %dma_wait3A_103, %dma_wait3A_104] : memref<200x8x32x8x128xf32, #tpu.memory_space<hbm>> -> memref<1x1x1x8x128xf32, #tpu.memory_space<hbm>>
    %dma_wait3A_106 = tpu.memref_squeeze %dma_wait3A_105 : memref<1x1x1x8x128xf32, #tpu.memory_space<hbm>> -> memref<8x128xf32, #tpu.memory_space<hbm>>
    %dma_wait3A_107 = arith.constant 0 : i32
    %dma_wait3A_108 = arith.constant 0 : i32
    %dma_wait3A_109 = tpu.memref_slice %arg4[%dma_wait3A_98, %dma_wait3A_99, %add3A, %dma_wait3A_107, %dma_wait3A_108] : memref<200x8x32x8x128xf32, #tpu.memory_space<hbm>> -> memref<1x1x1x8x128xf32, #tpu.memory_space<hbm>>
    %dma_wait3A_110 = tpu.memref_squeeze %dma_wait3A_109 : memref<1x1x1x8x128xf32, #tpu.memory_space<hbm>> -> memref<8x128xf32, #tpu.memory_space<hbm>>
    %dma_wait3A_111 = arith.constant 40 : i32
    %dma_wait3A_112 = arith.constant 0 : i32
    %dma_wait3A_113 = tpu.memref_slice %arg8[%dma_wait3A_111, %dma_wait3A_112] : memref<64x129xf32, #tpu.memory_space<vmem>> -> memref<8x128xf32, #tpu.memory_space<vmem>>
    tpu.wait_dma2 semaphore(%arg12 : memref<!tpu.dma_semaphore, #tpu.memory_space<semaphore_mem>>) src(%dma_wait3A_113 : memref<8x128xf32, #tpu.memory_space<vmem>>) dst(%dma_wait3A_110 : memref<8x128xf32, #tpu.memory_space<hbm>>)
    %dma_wait3A_114 = arith.constant 0 : i32
    %dma_wait3A_115 = arith.constant 6 : i32
    %dma_wait3A_116 = arith.constant 48 : i32
    %dma_wait3A_117 = arith.constant 0 : i32
    %dma_wait3A_118 = tpu.memref_slice %arg8[%dma_wait3A_116, %dma_wait3A_117] : memref<64x129xf32, #tpu.memory_space<vmem>> -> memref<8x128xf32, #tpu.memory_space<vmem>>
    %dma_wait3A_119 = arith.constant 0 : i32
    %dma_wait3A_120 = arith.constant 0 : i32
    %dma_wait3A_121 = tpu.memref_slice %arg4[%dma_wait3A_114, %dma_wait3A_115, %add3A, %dma_wait3A_119, %dma_wait3A_120] : memref<200x8x32x8x128xf32, #tpu.memory_space<hbm>> -> memref<1x1x1x8x128xf32, #tpu.memory_space<hbm>>
    %dma_wait3A_122 = tpu.memref_squeeze %dma_wait3A_121 : memref<1x1x1x8x128xf32, #tpu.memory_space<hbm>> -> memref<8x128xf32, #tpu.memory_space<hbm>>
    %dma_wait3A_123 = arith.constant 0 : i32
    %dma_wait3A_124 = arith.constant 0 : i32
    %dma_wait3A_125 = tpu.memref_slice %arg4[%dma_wait3A_114, %dma_wait3A_115, %add3A, %dma_wait3A_123, %dma_wait3A_124] : memref<200x8x32x8x128xf32, #tpu.memory_space<hbm>> -> memref<1x1x1x8x128xf32, #tpu.memory_space<hbm>>
    %dma_wait3A_126 = tpu.memref_squeeze %dma_wait3A_125 : memref<1x1x1x8x128xf32, #tpu.memory_space<hbm>> -> memref<8x128xf32, #tpu.memory_space<hbm>>
    %dma_wait3A_127 = arith.constant 48 : i32
    %dma_wait3A_128 = arith.constant 0 : i32
    %dma_wait3A_129 = tpu.memref_slice %arg8[%dma_wait3A_127, %dma_wait3A_128] : memref<64x129xf32, #tpu.memory_space<vmem>> -> memref<8x128xf32, #tpu.memory_space<vmem>>
    tpu.wait_dma2 semaphore(%arg12 : memref<!tpu.dma_semaphore, #tpu.memory_space<semaphore_mem>>) src(%dma_wait3A_129 : memref<8x128xf32, #tpu.memory_space<vmem>>) dst(%dma_wait3A_126 : memref<8x128xf32, #tpu.memory_space<hbm>>)
    %dma_wait3A_130 = arith.constant 0 : i32
    %dma_wait3A_131 = arith.constant 7 : i32
    %dma_wait3A_132 = arith.constant 56 : i32
    %dma_wait3A_133 = arith.constant 0 : i32
    %dma_wait3A_134 = tpu.memref_slice %arg8[%dma_wait3A_132, %dma_wait3A_133] : memref<64x129xf32, #tpu.memory_space<vmem>> -> memref<8x128xf32, #tpu.memory_space<vmem>>
    %dma_wait3A_135 = arith.constant 0 : i32
    %dma_wait3A_136 = arith.constant 0 : i32
    %dma_wait3A_137 = tpu.memref_slice %arg4[%dma_wait3A_130, %dma_wait3A_131, %add3A, %dma_wait3A_135, %dma_wait3A_136] : memref<200x8x32x8x128xf32, #tpu.memory_space<hbm>> -> memref<1x1x1x8x128xf32, #tpu.memory_space<hbm>>
    %dma_wait3A_138 = tpu.memref_squeeze %dma_wait3A_137 : memref<1x1x1x8x128xf32, #tpu.memory_space<hbm>> -> memref<8x128xf32, #tpu.memory_space<hbm>>
    %dma_wait3A_139 = arith.constant 0 : i32
    %dma_wait3A_140 = arith.constant 0 : i32
    %dma_wait3A_141 = tpu.memref_slice %arg4[%dma_wait3A_130, %dma_wait3A_131, %add3A, %dma_wait3A_139, %dma_wait3A_140] : memref<200x8x32x8x128xf32, #tpu.memory_space<hbm>> -> memref<1x1x1x8x128xf32, #tpu.memory_space<hbm>>
    %dma_wait3A_142 = tpu.memref_squeeze %dma_wait3A_141 : memref<1x1x1x8x128xf32, #tpu.memory_space<hbm>> -> memref<8x128xf32, #tpu.memory_space<hbm>>
    %dma_wait3A_143 = arith.constant 56 : i32
    %dma_wait3A_144 = arith.constant 0 : i32
    %dma_wait3A_145 = tpu.memref_slice %arg8[%dma_wait3A_143, %dma_wait3A_144] : memref<64x129xf32, #tpu.memory_space<vmem>> -> memref<8x128xf32, #tpu.memory_space<vmem>>
    tpu.wait_dma2 semaphore(%arg12 : memref<!tpu.dma_semaphore, #tpu.memory_space<semaphore_mem>>) src(%dma_wait3A_145 : memref<8x128xf32, #tpu.memory_space<vmem>>) dst(%dma_wait3A_142 : memref<8x128xf32, #tpu.memory_space<hbm>>)
    %dma_wait3A_146 = arith.constant 0 : i32
    %dma_wait3A_147 = arith.constant 0 : i32
    %dma_wait3A_148 = arith.constant 0 : i32
    %dma_wait3A_149 = arith.constant 0 : i32
    %dma_wait3A_150 = tpu.memref_slice %arg9[%dma_wait3A_148, %dma_wait3A_149] : memref<64x129xf32, #tpu.memory_space<vmem>> -> memref<8x128xf32, #tpu.memory_space<vmem>>
    %dma_wait3A_151 = arith.constant 0 : i32
    %dma_wait3A_152 = arith.constant 0 : i32
    %dma_wait3A_153 = tpu.memref_slice %arg4[%dma_wait3A_146, %dma_wait3A_147, %add3A, %dma_wait3A_151, %dma_wait3A_152] : memref<200x8x32x8x128xf32, #tpu.memory_space<hbm>> -> memref<1x1x1x8x128xf32, #tpu.memory_space<hbm>>
    %dma_wait3A_154 = tpu.memref_squeeze %dma_wait3A_153 : memref<1x1x1x8x128xf32, #tpu.memory_space<hbm>> -> memref<8x128xf32, #tpu.memory_space<hbm>>
    %dma_wait3A_155 = arith.constant 0 : i32
    %dma_wait3A_156 = arith.constant 0 : i32
    %dma_wait3A_157 = tpu.memref_slice %arg4[%dma_wait3A_146, %dma_wait3A_147, %add3A, %dma_wait3A_155, %dma_wait3A_156] : memref<200x8x32x8x128xf32, #tpu.memory_space<hbm>> -> memref<1x1x1x8x128xf32, #tpu.memory_space<hbm>>
    %dma_wait3A_158 = tpu.memref_squeeze %dma_wait3A_157 : memref<1x1x1x8x128xf32, #tpu.memory_space<hbm>> -> memref<8x128xf32, #tpu.memory_space<hbm>>
    %dma_wait3A_159 = arith.constant 0 : i32
    %dma_wait3A_160 = arith.constant 0 : i32
    %dma_wait3A_161 = tpu.memref_slice %arg9[%dma_wait3A_159, %dma_wait3A_160] : memref<64x129xf32, #tpu.memory_space<vmem>> -> memref<8x128xf32, #tpu.memory_space<vmem>>
    tpu.wait_dma2 semaphore(%arg13 : memref<!tpu.dma_semaphore, #tpu.memory_space<semaphore_mem>>) src(%dma_wait3A_161 : memref<8x128xf32, #tpu.memory_space<vmem>>) dst(%dma_wait3A_158 : memref<8x128xf32, #tpu.memory_space<hbm>>)
    %dma_wait3A_162 = arith.constant 0 : i32
    %dma_wait3A_163 = arith.constant 1 : i32
    %dma_wait3A_164 = arith.constant 8 : i32
    %dma_wait3A_165 = arith.constant 0 : i32
    %dma_wait3A_166 = tpu.memref_slice %arg9[%dma_wait3A_164, %dma_wait3A_165] : memref<64x129xf32, #tpu.memory_space<vmem>> -> memref<8x128xf32, #tpu.memory_space<vmem>>
    %dma_wait3A_167 = arith.constant 0 : i32
    %dma_wait3A_168 = arith.constant 0 : i32
    %dma_wait3A_169 = tpu.memref_slice %arg4[%dma_wait3A_162, %dma_wait3A_163, %add3A, %dma_wait3A_167, %dma_wait3A_168] : memref<200x8x32x8x128xf32, #tpu.memory_space<hbm>> -> memref<1x1x1x8x128xf32, #tpu.memory_space<hbm>>
    %dma_wait3A_170 = tpu.memref_squeeze %dma_wait3A_169 : memref<1x1x1x8x128xf32, #tpu.memory_space<hbm>> -> memref<8x128xf32, #tpu.memory_space<hbm>>
    %dma_wait3A_171 = arith.constant 0 : i32
    %dma_wait3A_172 = arith.constant 0 : i32
    %dma_wait3A_173 = tpu.memref_slice %arg4[%dma_wait3A_162, %dma_wait3A_163, %add3A, %dma_wait3A_171, %dma_wait3A_172] : memref<200x8x32x8x128xf32, #tpu.memory_space<hbm>> -> memref<1x1x1x8x128xf32, #tpu.memory_space<hbm>>
    %dma_wait3A_174 = tpu.memref_squeeze %dma_wait3A_173 : memref<1x1x1x8x128xf32, #tpu.memory_space<hbm>> -> memref<8x128xf32, #tpu.memory_space<hbm>>
    %dma_wait3A_175 = arith.constant 8 : i32
    %dma_wait3A_176 = arith.constant 0 : i32
    %dma_wait3A_177 = tpu.memref_slice %arg9[%dma_wait3A_175, %dma_wait3A_176] : memref<64x129xf32, #tpu.memory_space<vmem>> -> memref<8x128xf32, #tpu.memory_space<vmem>>
    tpu.wait_dma2 semaphore(%arg13 : memref<!tpu.dma_semaphore, #tpu.memory_space<semaphore_mem>>) src(%dma_wait3A_177 : memref<8x128xf32, #tpu.memory_space<vmem>>) dst(%dma_wait3A_174 : memref<8x128xf32, #tpu.memory_space<hbm>>)
    %dma_wait3A_178 = arith.constant 0 : i32
    %dma_wait3A_179 = arith.constant 2 : i32
    %dma_wait3A_180 = arith.constant 16 : i32
    %dma_wait3A_181 = arith.constant 0 : i32
    %dma_wait3A_182 = tpu.memref_slice %arg9[%dma_wait3A_180, %dma_wait3A_181] : memref<64x129xf32, #tpu.memory_space<vmem>> -> memref<8x128xf32, #tpu.memory_space<vmem>>
    %dma_wait3A_183 = arith.constant 0 : i32
    %dma_wait3A_184 = arith.constant 0 : i32
    %dma_wait3A_185 = tpu.memref_slice %arg4[%dma_wait3A_178, %dma_wait3A_179, %add3A, %dma_wait3A_183, %dma_wait3A_184] : memref<200x8x32x8x128xf32, #tpu.memory_space<hbm>> -> memref<1x1x1x8x128xf32, #tpu.memory_space<hbm>>
    %dma_wait3A_186 = tpu.memref_squeeze %dma_wait3A_185 : memref<1x1x1x8x128xf32, #tpu.memory_space<hbm>> -> memref<8x128xf32, #tpu.memory_space<hbm>>
    %dma_wait3A_187 = arith.constant 0 : i32
    %dma_wait3A_188 = arith.constant 0 : i32
    %dma_wait3A_189 = tpu.memref_slice %arg4[%dma_wait3A_178, %dma_wait3A_179, %add3A, %dma_wait3A_187, %dma_wait3A_188] : memref<200x8x32x8x128xf32, #tpu.memory_space<hbm>> -> memref<1x1x1x8x128xf32, #tpu.memory_space<hbm>>
    %dma_wait3A_190 = tpu.memref_squeeze %dma_wait3A_189 : memref<1x1x1x8x128xf32, #tpu.memory_space<hbm>> -> memref<8x128xf32, #tpu.memory_space<hbm>>
    %dma_wait3A_191 = arith.constant 16 : i32
    %dma_wait3A_192 = arith.constant 0 : i32
    %dma_wait3A_193 = tpu.memref_slice %arg9[%dma_wait3A_191, %dma_wait3A_192] : memref<64x129xf32, #tpu.memory_space<vmem>> -> memref<8x128xf32, #tpu.memory_space<vmem>>
    tpu.wait_dma2 semaphore(%arg13 : memref<!tpu.dma_semaphore, #tpu.memory_space<semaphore_mem>>) src(%dma_wait3A_193 : memref<8x128xf32, #tpu.memory_space<vmem>>) dst(%dma_wait3A_190 : memref<8x128xf32, #tpu.memory_space<hbm>>)
    %dma_wait3A_194 = arith.constant 0 : i32
    %dma_wait3A_195 = arith.constant 3 : i32
    %dma_wait3A_196 = arith.constant 24 : i32
    %dma_wait3A_197 = arith.constant 0 : i32
    %dma_wait3A_198 = tpu.memref_slice %arg9[%dma_wait3A_196, %dma_wait3A_197] : memref<64x129xf32, #tpu.memory_space<vmem>> -> memref<8x128xf32, #tpu.memory_space<vmem>>
    %dma_wait3A_199 = arith.constant 0 : i32
    %dma_wait3A_200 = arith.constant 0 : i32
    %dma_wait3A_201 = tpu.memref_slice %arg4[%dma_wait3A_194, %dma_wait3A_195, %add3A, %dma_wait3A_199, %dma_wait3A_200] : memref<200x8x32x8x128xf32, #tpu.memory_space<hbm>> -> memref<1x1x1x8x128xf32, #tpu.memory_space<hbm>>
    %dma_wait3A_202 = tpu.memref_squeeze %dma_wait3A_201 : memref<1x1x1x8x128xf32, #tpu.memory_space<hbm>> -> memref<8x128xf32, #tpu.memory_space<hbm>>
    %dma_wait3A_203 = arith.constant 0 : i32
    %dma_wait3A_204 = arith.constant 0 : i32
    %dma_wait3A_205 = tpu.memref_slice %arg4[%dma_wait3A_194, %dma_wait3A_195, %add3A, %dma_wait3A_203, %dma_wait3A_204] : memref<200x8x32x8x128xf32, #tpu.memory_space<hbm>> -> memref<1x1x1x8x128xf32, #tpu.memory_space<hbm>>
    %dma_wait3A_206 = tpu.memref_squeeze %dma_wait3A_205 : memref<1x1x1x8x128xf32, #tpu.memory_space<hbm>> -> memref<8x128xf32, #tpu.memory_space<hbm>>
    %dma_wait3A_207 = arith.constant 24 : i32
    %dma_wait3A_208 = arith.constant 0 : i32
    %dma_wait3A_209 = tpu.memref_slice %arg9[%dma_wait3A_207, %dma_wait3A_208] : memref<64x129xf32, #tpu.memory_space<vmem>> -> memref<8x128xf32, #tpu.memory_space<vmem>>
    tpu.wait_dma2 semaphore(%arg13 : memref<!tpu.dma_semaphore, #tpu.memory_space<semaphore_mem>>) src(%dma_wait3A_209 : memref<8x128xf32, #tpu.memory_space<vmem>>) dst(%dma_wait3A_206 : memref<8x128xf32, #tpu.memory_space<hbm>>)
    %dma_wait3A_210 = arith.constant 0 : i32
    %dma_wait3A_211 = arith.constant 4 : i32
    %dma_wait3A_212 = arith.constant 32 : i32
    %dma_wait3A_213 = arith.constant 0 : i32
    %dma_wait3A_214 = tpu.memref_slice %arg9[%dma_wait3A_212, %dma_wait3A_213] : memref<64x129xf32, #tpu.memory_space<vmem>> -> memref<8x128xf32, #tpu.memory_space<vmem>>
    %dma_wait3A_215 = arith.constant 0 : i32
    %dma_wait3A_216 = arith.constant 0 : i32
    %dma_wait3A_217 = tpu.memref_slice %arg4[%dma_wait3A_210, %dma_wait3A_211, %add3A, %dma_wait3A_215, %dma_wait3A_216] : memref<200x8x32x8x128xf32, #tpu.memory_space<hbm>> -> memref<1x1x1x8x128xf32, #tpu.memory_space<hbm>>
    %dma_wait3A_218 = tpu.memref_squeeze %dma_wait3A_217 : memref<1x1x1x8x128xf32, #tpu.memory_space<hbm>> -> memref<8x128xf32, #tpu.memory_space<hbm>>
    %dma_wait3A_219 = arith.constant 0 : i32
    %dma_wait3A_220 = arith.constant 0 : i32
    %dma_wait3A_221 = tpu.memref_slice %arg4[%dma_wait3A_210, %dma_wait3A_211, %add3A, %dma_wait3A_219, %dma_wait3A_220] : memref<200x8x32x8x128xf32, #tpu.memory_space<hbm>> -> memref<1x1x1x8x128xf32, #tpu.memory_space<hbm>>
    %dma_wait3A_222 = tpu.memref_squeeze %dma_wait3A_221 : memref<1x1x1x8x128xf32, #tpu.memory_space<hbm>> -> memref<8x128xf32, #tpu.memory_space<hbm>>
    %dma_wait3A_223 = arith.constant 32 : i32
    %dma_wait3A_224 = arith.constant 0 : i32
    %dma_wait3A_225 = tpu.memref_slice %arg9[%dma_wait3A_223, %dma_wait3A_224] : memref<64x129xf32, #tpu.memory_space<vmem>> -> memref<8x128xf32, #tpu.memory_space<vmem>>
    tpu.wait_dma2 semaphore(%arg13 : memref<!tpu.dma_semaphore, #tpu.memory_space<semaphore_mem>>) src(%dma_wait3A_225 : memref<8x128xf32, #tpu.memory_space<vmem>>) dst(%dma_wait3A_222 : memref<8x128xf32, #tpu.memory_space<hbm>>)
    %dma_wait3A_226 = arith.constant 0 : i32
    %dma_wait3A_227 = arith.constant 5 : i32
    %dma_wait3A_228 = arith.constant 40 : i32
    %dma_wait3A_229 = arith.constant 0 : i32
    %dma_wait3A_230 = tpu.memref_slice %arg9[%dma_wait3A_228, %dma_wait3A_229] : memref<64x129xf32, #tpu.memory_space<vmem>> -> memref<8x128xf32, #tpu.memory_space<vmem>>
    %dma_wait3A_231 = arith.constant 0 : i32
    %dma_wait3A_232 = arith.constant 0 : i32
    %dma_wait3A_233 = tpu.memref_slice %arg4[%dma_wait3A_226, %dma_wait3A_227, %add3A, %dma_wait3A_231, %dma_wait3A_232] : memref<200x8x32x8x128xf32, #tpu.memory_space<hbm>> -> memref<1x1x1x8x128xf32, #tpu.memory_space<hbm>>
    %dma_wait3A_234 = tpu.memref_squeeze %dma_wait3A_233 : memref<1x1x1x8x128xf32, #tpu.memory_space<hbm>> -> memref<8x128xf32, #tpu.memory_space<hbm>>
    %dma_wait3A_235 = arith.constant 0 : i32
    %dma_wait3A_236 = arith.constant 0 : i32
    %dma_wait3A_237 = tpu.memref_slice %arg4[%dma_wait3A_226, %dma_wait3A_227, %add3A, %dma_wait3A_235, %dma_wait3A_236] : memref<200x8x32x8x128xf32, #tpu.memory_space<hbm>> -> memref<1x1x1x8x128xf32, #tpu.memory_space<hbm>>
    %dma_wait3A_238 = tpu.memref_squeeze %dma_wait3A_237 : memref<1x1x1x8x128xf32, #tpu.memory_space<hbm>> -> memref<8x128xf32, #tpu.memory_space<hbm>>
    %dma_wait3A_239 = arith.constant 40 : i32
    %dma_wait3A_240 = arith.constant 0 : i32
    %dma_wait3A_241 = tpu.memref_slice %arg9[%dma_wait3A_239, %dma_wait3A_240] : memref<64x129xf32, #tpu.memory_space<vmem>> -> memref<8x128xf32, #tpu.memory_space<vmem>>
    tpu.wait_dma2 semaphore(%arg13 : memref<!tpu.dma_semaphore, #tpu.memory_space<semaphore_mem>>) src(%dma_wait3A_241 : memref<8x128xf32, #tpu.memory_space<vmem>>) dst(%dma_wait3A_238 : memref<8x128xf32, #tpu.memory_space<hbm>>)
    %dma_wait3A_242 = arith.constant 0 : i32
    %dma_wait3A_243 = arith.constant 6 : i32
    %dma_wait3A_244 = arith.constant 48 : i32
    %dma_wait3A_245 = arith.constant 0 : i32
    %dma_wait3A_246 = tpu.memref_slice %arg9[%dma_wait3A_244, %dma_wait3A_245] : memref<64x129xf32, #tpu.memory_space<vmem>> -> memref<8x128xf32, #tpu.memory_space<vmem>>
    %dma_wait3A_247 = arith.constant 0 : i32
    %dma_wait3A_248 = arith.constant 0 : i32
    %dma_wait3A_249 = tpu.memref_slice %arg4[%dma_wait3A_242, %dma_wait3A_243, %add3A, %dma_wait3A_247, %dma_wait3A_248] : memref<200x8x32x8x128xf32, #tpu.memory_space<hbm>> -> memref<1x1x1x8x128xf32, #tpu.memory_space<hbm>>
    %dma_wait3A_250 = tpu.memref_squeeze %dma_wait3A_249 : memref<1x1x1x8x128xf32, #tpu.memory_space<hbm>> -> memref<8x128xf32, #tpu.memory_space<hbm>>
    %dma_wait3A_251 = arith.constant 0 : i32
    %dma_wait3A_252 = arith.constant 0 : i32
    %dma_wait3A_253 = tpu.memref_slice %arg4[%dma_wait3A_242, %dma_wait3A_243, %add3A, %dma_wait3A_251, %dma_wait3A_252] : memref<200x8x32x8x128xf32, #tpu.memory_space<hbm>> -> memref<1x1x1x8x128xf32, #tpu.memory_space<hbm>>
    %dma_wait3A_254 = tpu.memref_squeeze %dma_wait3A_253 : memref<1x1x1x8x128xf32, #tpu.memory_space<hbm>> -> memref<8x128xf32, #tpu.memory_space<hbm>>
    %dma_wait3A_255 = arith.constant 48 : i32
    %dma_wait3A_256 = arith.constant 0 : i32
    %dma_wait3A_257 = tpu.memref_slice %arg9[%dma_wait3A_255, %dma_wait3A_256] : memref<64x129xf32, #tpu.memory_space<vmem>> -> memref<8x128xf32, #tpu.memory_space<vmem>>
    tpu.wait_dma2 semaphore(%arg13 : memref<!tpu.dma_semaphore, #tpu.memory_space<semaphore_mem>>) src(%dma_wait3A_257 : memref<8x128xf32, #tpu.memory_space<vmem>>) dst(%dma_wait3A_254 : memref<8x128xf32, #tpu.memory_space<hbm>>)
    %dma_wait3A_258 = arith.constant 0 : i32
    %dma_wait3A_259 = arith.constant 7 : i32
    %dma_wait3A_260 = arith.constant 56 : i32
    %dma_wait3A_261 = arith.constant 0 : i32
    %dma_wait3A_262 = tpu.memref_slice %arg9[%dma_wait3A_260, %dma_wait3A_261] : memref<64x129xf32, #tpu.memory_space<vmem>> -> memref<8x128xf32, #tpu.memory_space<vmem>>
    %dma_wait3A_263 = arith.constant 0 : i32
    %dma_wait3A_264 = arith.constant 0 : i32
    %dma_wait3A_265 = tpu.memref_slice %arg4[%dma_wait3A_258, %dma_wait3A_259, %add3A, %dma_wait3A_263, %dma_wait3A_264] : memref<200x8x32x8x128xf32, #tpu.memory_space<hbm>> -> memref<1x1x1x8x128xf32, #tpu.memory_space<hbm>>
    %dma_wait3A_266 = tpu.memref_squeeze %dma_wait3A_265 : memref<1x1x1x8x128xf32, #tpu.memory_space<hbm>> -> memref<8x128xf32, #tpu.memory_space<hbm>>
    %dma_wait3A_267 = arith.constant 0 : i32
    %dma_wait3A_268 = arith.constant 0 : i32
    %dma_wait3A_269 = tpu.memref_slice %arg4[%dma_wait3A_258, %dma_wait3A_259, %add3A, %dma_wait3A_267, %dma_wait3A_268] : memref<200x8x32x8x128xf32, #tpu.memory_space<hbm>> -> memref<1x1x1x8x128xf32, #tpu.memory_space<hbm>>
    %dma_wait3A_270 = tpu.memref_squeeze %dma_wait3A_269 : memref<1x1x1x8x128xf32, #tpu.memory_space<hbm>> -> memref<8x128xf32, #tpu.memory_space<hbm>>
    %dma_wait3A_271 = arith.constant 56 : i32
    %dma_wait3A_272 = arith.constant 0 : i32
    %dma_wait3A_273 = tpu.memref_slice %arg9[%dma_wait3A_271, %dma_wait3A_272] : memref<64x129xf32, #tpu.memory_space<vmem>> -> memref<8x128xf32, #tpu.memory_space<vmem>>
    tpu.wait_dma2 semaphore(%arg13 : memref<!tpu.dma_semaphore, #tpu.memory_space<semaphore_mem>>) src(%dma_wait3A_273 : memref<8x128xf32, #tpu.memory_space<vmem>>) dst(%dma_wait3A_270 : memref<8x128xf32, #tpu.memory_space<hbm>>)
    return
  }
}

</mosaic_0001>

<sc_bundles>
// kernel: kernel.3.cloned.1.call-start
scs
__scs_entry_jumppad:
0x0: {  	(pc) =	sbr.rel $0x88, $3  }
0x1: {  	(tag) =	ssettag $0x0;
	lr =	simm.s32 $0x1  }
0x2: {  	[smem:$0x3F9F] =	sst lr;
	_ =	strace $0xD0000000  }
0x3: {  	_ = 	snop  }
0x4: {  	_ = 	snop  }
0x5: {  	_ = 	snop  }
0x6: {  	_ = 	snop  }
0x7: {  	_ = 	snop  }
__scs_overlays_trampoline_lowered:
0x8: {  	[smem:$0x3FAE] =	sst s0  }
0x9: {  	[smem:$0x3FAF] =	sst s1  }
0xa: {  	[smem:$0x3FB0] =	sst s2  }
0xb: {  	[smem:$0x3FB1] =	sst s3  }
0xc: {  	[smem:$0x3FB2] =	sst s4  }
0xd: {  	[smem:$0x3FB3] =	sst s5  }
0xe: {  	[smem:$0x3FB4] =	sst s6  }
0xf: {  	[smem:$0x3FB5] =	sst s7  }
0x10: {  	[smem:$0x3FB6] =	sst s8  }
0x11: {  	[smem:$0x3FB7] =	sst s9;
	s0 =	simm.s32 @!p0 $0x0  }
0x12: {  	s1 =	sld [smem:$0x3F9D];
	s0 =	simm.s32 @p0 $0x1  }
0x13: {  	[smem:$0x3FB8] =	sst s0;
	s0 =	simm.s32 @!p1 $0x0  }
0x14: {  	s2 =	sld [smem:$0x3F9C];
	s0 =	simm.s32 @p1 $0x1  }
0x15: {  	[smem:$0x3FB9] =	sst s0;
	s0 =	simm.s32 @!p2 $0x0  }
0x16: {  	s3 =	sld [smem:$0x3FDB];
	s0 =	simm.s32 @p2 $0x1  }
0x17: {  	s4 =	simm.s32 $0x1BF5;
	[smem:$0x3FBB] =	sst s0  }
0x18: {  	s0 =	sld [smem:$0x3F9E];
	_ =	swait.ge [sflag:s4], $0x0  }
0x19: {  	s7 =	sld [smem:$0x3F9F]  }
0x1a: {  	s8 =	sadd.s32 $0xFFFFE003, lr  }
0x1b: {  	s9 =	sadd.s32 $0xFFFFFEF7, lr;
	s5 =	simm.s32 $0xFFFFFFFF;
	p2 =	slt.u32 s8, $0xFFFFF086  }
0x1c: {  	p1 =	slt.u32 s9, $0xF7A;
	s5 =	simm.s32 @!p2 $0x0  }
0x1d: {  	s5 =	simm.s32 @p1 $0x1;
	p0 =	seq.s32 s7, s2  }
0x1e: {  	s7 =	smul.u32 @!p0 $0xF7A, s2;
	p2 =	seq.s32 @!p0 s5, $0x0  }
0x1f: {  	s9 =	smul.u32 $0xF7A, s1;
	s8 =	simm.s32 @!p0 $0x1BF5;
	p2 =	por !p2, p0  }
0x20: {  	[sflag:s8] =	ssyncset.s32 @!p0 $0xFFFFF086;
	s6 =	sadd.s32 @!p0 s3, s7;
	s7 =	simm.s32 @!p0 $0x108  }
0x21: {  	s3 =	sadd.s32 s3, s9;
	s6 =	sadd.s32 @!p0 $0x88, s6;
	s7 =	simm.s32 @p2 $0x1082  }
0x22: {  	[simem:s7], [sflag:s8] =	dma.local @!p0 [hbm:s6], $0xF7A  }
0x23: {  	s9 =	sor.u32 $0xD0000000, s2;
	s6 =	simm.s32 $0x108;
	_ =	swait.ge @!p0 [sflag:s8], $0x0  }
0x24: {  	s3 =	sadd.s32 $0x88, s3;
	s6 =	simm.s32 @!p1 $0x1082;
	[sflag:s4] =	ssyncset.s32 $0xFFFFF086  }
0x25: {  	[simem:s6], [sflag:s4] =	dma.local [hbm:s3], $0xF7A  }
0x26: {  	[smem:$0x3F9F] =	sst s1;
	(tag) =	ssettag s2;
	_ =	strace s9  }
0x27: {  	s1 =	sld [smem:$0x3FAF]  }
0x28: {  	s2 =	sld [smem:$0x3FB0]  }
0x29: {  	s4 =	sld [smem:$0x3FB2]  }
0x2a: {  	p0 =	seq.s32 s5, $0x0;
	s5 =	sld [smem:$0x3FB3]  }
0x2b: {  	s6 =	sld [smem:$0x3FB4]  }
0x2c: {  	s7 =	sld [smem:$0x3FB5]  }
0x2d: {  	s3 =	simm.s32 $0x108;
	s8 =	sld [smem:$0x3FB6]  }
0x2e: {  	s3 =	simm.s32 @!p0 $0x1082;
	s9 =	sld [smem:$0x3FB7]  }
0x2f: {  	lr =	sadd.s32 s0, s3;
	s0 =	sld [smem:$0x3FAE]  }
0x30: {  	s3 =	sld [smem:$0x3FB1]  }
0x31: {  	[smem:$0x3FBA] =	sst s10  }
0x32: {  	s10 =	sld [smem:$0x3FB8];
	_ =	sdelay $0x3  }
0x33: {  	p0 =	seq.s32 s10, $0x1;
	s10 =	sld [smem:$0x3FBA];
	_ =	sdelay $0x3  }
0x34: {  	[smem:$0x3FBA] =	sst s10  }
0x35: {  	s10 =	sld [smem:$0x3FB9];
	_ =	sdelay $0x3  }
0x36: {  	p1 =	seq.s32 s10, $0x1;
	s10 =	sld [smem:$0x3FBA];
	_ =	sdelay $0x3  }
0x37: {  	[smem:$0x3FBA] =	sst s10  }
0x38: {  	s10 =	sld [smem:$0x3FBB]  }
0x39: {  	_ = 	snop;
	(pc) =	sbr.ind lr, $3  }
0x3a: {  	_ = 	snop  }
0x3b: {  	_ = 	snop  }
0x3c: {  	p2 =	seq.s32 s10, $0x1;
	s10 =	sld [smem:$0x3FBA]  }
0x3d: {  	_ =	shalt  }
0x3e: {  	_ =	shalt  }
0x3f: {  	_ =	shalt  }
0x40: {  	_ =	shalt  }
0x41: {  	_ =	shalt  }
0x42: {  	_ =	shalt  }
0x43: {  	_ =	shalt  }
0x44: {  	_ =	shalt  }
0x45: {  	_ =	shalt  }
0x46: {  	_ =	shalt  }
0x47: {  	_ =	shalt  }
0x48: {  	_ =	shalt  }
0x49: {  	_ =	shalt  }
0x4a: {  	_ =	shalt  }
0x4b: {  	_ =	shalt  }
0x4c: {  	_ =	shalt  }
0x4d: {  	_ =	shalt  }
0x4e: {  	_ =	shalt  }
0x4f: {  	_ =	shalt  }
0x50: {  	_ =	shalt  }
0x51: {  	_ =	shalt  }
0x52: {  	_ =	shalt  }
0x53: {  	_ =	shalt  }
0x54: {  	_ =	shalt  }
0x55: {  	_ =	shalt  }
0x56: {  	_ =	shalt  }
0x57: {  	_ =	shalt  }
0x58: {  	_ =	shalt  }
0x59: {  	_ =	shalt  }
0x5a: {  	_ =	shalt  }
0x5b: {  	_ =	shalt  }
0x5c: {  	_ =	shalt  }
0x5d: {  	_ =	shalt  }
0x5e: {  	_ =	shalt  }
0x5f: {  	_ =	shalt  }
0x60: {  	_ =	shalt  }
0x61: {  	_ =	shalt  }
0x62: {  	_ =	shalt  }
0x63: {  	_ =	shalt  }
0x64: {  	_ =	shalt  }
0x65: {  	_ =	shalt  }
0x66: {  	_ =	shalt  }
0x67: {  	_ =	shalt  }
0x68: {  	_ =	shalt  }
0x69: {  	_ =	shalt  }
0x6a: {  	_ =	shalt  }
0x6b: {  	_ =	shalt  }
0x6c: {  	_ =	shalt  }
0x6d: {  	_ =	shalt  }
0x6e: {  	_ =	shalt  }
0x6f: {  	_ =	shalt  }
0x70: {  	_ =	shalt  }
0x71: {  	_ =	shalt  }
0x72: {  	_ =	shalt  }
0x73: {  	_ =	shalt  }
0x74: {  	_ =	shalt  }
0x75: {  	_ =	shalt  }
0x76: {  	_ =	shalt  }
0x77: {  	_ =	shalt  }
0x78: {  	_ =	shalt  }
0x79: {  	_ =	shalt  }
0x7a: {  	_ =	shalt  }
0x7b: {  	_ =	shalt  }
0x7c: {  	_ =	shalt  }
0x7d: {  	_ =	shalt  }
0x7e: {  	_ =	shalt  }
0x7f: {  	_ =	shalt  }
0x80: {  	_ =	shalt  }
0x81: {  	_ =	shalt  }
0x82: {  	_ =	shalt  }
0x83: {  	_ =	shalt  }
0x84: {  	_ =	shalt  }
0x85: {  	_ =	shalt  }
0x86: {  	_ =	shalt  }
0x87: {  	_ =	shalt  }
.Lfunc_end0:
.L_simem_size_0:
called_computation_lowered:
.L_overlay_start_0:
0x88: {  	s2 =	sld [smem:$0x3FD9]  }
0x89: {  	s3 =	sld [smem:$0x3FFE];
	_ =	sdelay $0x1  }
0x8a: {  	s1 =	srdreg.scid  }
0x8b: {  	s0 =	sand.u32 $0x1, s1  }
0x8c: {  	s17 =	sshll.u32 s0, $0xA;
	s2 =	sadd.s32 s3, s2  }
0x8d: {  	s2 =	sadd.s32 s2, s17  }
0x8e: {  	[smem:$0x3FC6] =	sst s2  }
0x8f: {  	_ = 	snop  }
0x90: {  	s2 =	sld [smem:$0x3FD0];
	(tm) =	ssettm $0x1  }
0x91: {  	s18 =	sld [smem:$0x3FFB];
	_ =	sdelay $0x3  }
0x92: {  	_ =	strace s18  }
0x93: {  	s3 =	sld [smem:$0x3FFC];
	_ =	sdelay $0x3  }
0x94: {  	_ =	strace s3  }
0x95: {  	s3 =	sld [smem:$0x3FFD];
	_ =	sdelay $0x3  }
0x96: {  	_ =	strace s3  }
0x97: {  	_ =	strace $0x8FFFFFFF  }
0x98: {  	s19 =	sld [smem:$0x3FDB];
	_ =	sdelay $0x1  }
0x99: {  	s4 =	simm.s32 $_scs_section_size  }
0x9a: {  	s5 =	simm.s32 $_size__tile_overlayer_lowered;
	s6 =	simm.s32 $_tile_overlayer_lowered  }
0x9b: {  	s22 =	simm.s32 $0x1BFF;
	s21 =	sshll.u32 s6, $0x1;
	s3 =	sadd.s32 s4, s19  }
0x9c: {  	s7 =	simm.s32 $0x0;
	s20 =	sshll.u32 s5, $0x1;
	s5 =	sadd.s32 s21, s3  }
0x9d: {  	[timem:s7], [sflag:s22] =	dma.local [hbm:s5], s20  }
0x9e: {  	_ =	swait.ge [sflag:s22], s20  }
0x9f: {  	s4 =	ssub.s32 $0x0, s20;
	[sflag:s22] =	ssyncset.done $0x0  }
0xa0: {  	[sflag:s22] =	ssyncadd.s32 s4;
	_ =	sdelay $0x1  }
0xa1: {  	s23 =	simm.s32 $0x1B8B  }
0xa2: {  	_ =	swait.ge [sflag:s23], $0x1  }
0xa3: {  	[sflag:s23] =	ssyncset.done $0x0  }
0xa4: {  	s25 =	simm.s32 $0x1B8E;
	s24 =	sld [smem:$0x3FFE];
	[sflag:s23] =	ssyncadd.s32 $0xFFFFFFFF  }
0xa5: {  	s26 =	simm.s32 $execute0_lowered;
	[smem:$0x3FD2] =	sst s25  }
0xa6: {  	s5 =	sshll.u32 s26, $0x1;
	_ =	strace $0x80000046;
	[dreg:$0x1] =	wrdreg $0xFFFFFFFF  }
0xa7: {  	s28 =	simm.s32 $_size_execute0_lowered;
	s3 =	sadd.s32 s3, s5;
	[dreg:$0x0] =	wrdreg $0x0  }
0xa8: {  	s5 =	sshll.u32 s28, $0x1;
	[dreg:$0x2] =	wrdreg s3  }
0xa9: {  	[dreg:$0x3] =	wrdreg s5  }
0xaa: {  	[dreg:$0x4] =	wrdreg $0xC0  }
0xab: {  	_ =	task [dreg:s7], $0x5FFFF  }
0xac: {  	[dreg:$0x1] =	wrdreg $0xFFFFFFFF  }
0xad: {  	[dreg:$0x0] =	wrdreg $0x60  }
0xae: {  	[dreg:$0x2] =	wrdreg s24  }
0xaf: {  	[dreg:$0x3] =	wrdreg s2  }
0xb0: {  	[dreg:$0x4] =	wrdreg $0x9  }
0xb1: {  	_ =	task.clear_ibuf [dreg:s7], $0x5FFFF;
	_ =	strace $0x90000046  }
0xb2: {  	s29 =	simm.s32 $0x9;
	_ =	strace $0x80000048  }
0xb3: {  	_ =	swait.ge [sflag:s29], $0x1  }
0xb4: {  	[sflag:s29] =	ssyncadd.s32 $0xFFFFFFFF  }
0xb5: {  	_ =	strace $0x90000048  }
0xb6: {  	_ =	sfence  }
0xb7: {  	s30 =	sld [smem:$0x0];
	_ =	sdelay $0x2  }
0xb8: {  	s31 =	sshll.u32 s1, $0xD;
	s1 =	sshrl.u32 s1, $0x2  }
0xb9: {  	s3 =	sand.u32 $0x4000, s31;
	s1 =	sadd.s32 s1, s30  }
0xba: {  	s0 =	sor.u32 s3, s0;
	s1 =	sshll.u32 s1, $0x11  }
0xbb: {  	s0 =	sor.u32 s1, s0  }
0xbc: {  	s0 =	sadd.s32 $0x8F2B, s0  }
0xbd: {  	[sflag:s0] =	ssyncadd.remote.s32 $0x1  }
0xbe: {  	_ =	sfence.sel $0xFFFF  }
0xbf: {  	[dreg:$0x0] =	wrdreg $0xFFFFFFFF;
	(pc) =	sbr.abs _section_cstart, $3  }
0xc0: {  	[dreg:$0x1] =	wrdreg $0xFFFFFFFF  }
0xc1: {  	_ =	task.clear_ibuf [dreg:s7], $0x2FFFF;
	_ =	strace $0x9FFFFFFF  }
0xc2: {  	(tm) =	ssettm $0x7FFFFFFF  }
0xc3: {  	_ =	shalt  }
tec
execute0_lowered:
.L_overlay_start_1:
0x0: {  	(tag) =	ssettag $0x1  }
0x1: {  	s0 =	rddreg [dreg:$0x0]  }
0x2: {  	s7 =	rddreg [dreg:$0x1]  }
0x3: {  	s1 =	srdreg.scid;
	s2 =	stileid.u32  }
0x4: {  	s3 =	simm.s32 $0x0;
	s29 =	simm.s32 $0x1;
	s30 =	simm.s32 $0xA400  }
0x5: {  	s24 =	simm.s32 $0x2;
	s22 =	simm.s32 $0xC600;
	s1 =	sand.u32 $0x1, s1  }
0x6: {  	s2 =	sshll.u32 s2, $0x1;
	[smem:$0x7FF] =	sst s3;
	s4 =	sadd.s32 $0xF42A00, s0  }
0x7: {  	s26 =	sadd.s32 $0x1000, s7;
	s28 =	sadd.s32 $0x2000, s7;
	s9 =	sadd.s32 $0x3000, s7  }
0x8: {  	s10 =	sadd.s32 $0x4000, s7;
	s11 =	sadd.s32 $0x5000, s7;
	s12 =	sadd.s32 $0x6000, s7  }
0x9: {  	s13 =	sadd.s32 $0x7000, s7;
	s14 =	sadd.s32 $0x8000, s7;
	s15 =	sadd.s32 $0x9000, s7  }
0xa: {  	s16 =	sadd.s32 $0xA000, s7;
	s17 =	sadd.s32 $0xB000, s7;
	s18 =	sadd.s32 $0xC000, s7  }
0xb: {  	s19 =	sadd.s32 $0xD000, s7;
	s20 =	sadd.s32 $0xE000, s7;
	s2 =	sor.u32 s1, s2  }
0xc: {  	s1 =	ssub.s32 $0x2, s1;
	_ =	strace $0x80000047;
	[dreg:$0x5] =	wrdreg s26  }
.Ltmp0:
0xd: {  	[dreg:$0x6] =	wrdreg s28;
	s5 =	sshll.u32 s2, $0x4;
	(pc) =	sbr.rel .LBB2_1-.Ltmp0, $4  }
0xe: {  	v0 =	vlaneseq.u32;
	s6 =	sshrl.u32 s1, $0x1;
	s25 =	sshll.u32 s2, $0x7;
	s0 =	sadd.s32 s5, s0  }
0xf: {  	v0 =	vmul.u32 $0x88, v0;
	s1 =	ssub.s32 s1, s6;
	[dreg:$0x4] =	wrdreg s25;
	s0 =	sadd.s32 $0x600, s0  }
0x10: {  	s21 =	sadd.s32 $0xF000, s7;
	s31 =	smax.u32 s1, $0x1;
	[dreg:$0x3] =	wrdreg s0  }
0x11: {  	v1 =	vadd.s32 $0x880, v0;
	v2 =	vadd.s32 $0x1100, v0;
	v3 =	vadd.s32 $0x1980, v0;
	s5 =	simm.s32 $0x4;
	s1 =	simm.s32 $0x0;
	[dreg:$0x7] =	wrdreg s31  }
.LBB2_12:
0x12: {  	s0 =	simm.s32 $0x3  }
0x13: {  	_ =	swait.ge [sflag:s0], $0x400  }
0x14: {  	[sflag:s0] =	ssyncset.done $0x0  }
0x15: {  	[sflag:s0] =	ssyncadd.s32 $0xFFFFFC00  }
0x16: {  	_ =	swait.ge [sflag:s0], $0x400  }
0x17: {  	[sflag:s0] =	ssyncset.done $0x0  }
0x18: {  	[sflag:s0] =	ssyncadd.s32 $0xFFFFFC00  }
0x19: {  	_ =	swait.ge [sflag:s0], $0x400  }
0x1a: {  	[sflag:s0] =	ssyncset.done $0x0  }
0x1b: {  	[sflag:s0] =	ssyncadd.s32 $0xFFFFFC00  }
0x1c: {  	_ =	swait.ge [sflag:s0], $0x400  }
0x1d: {  	[sflag:s0] =	ssyncset.done $0x0  }
0x1e: {  	[sflag:s0] =	ssyncadd.s32 $0xFFFFFC00  }
0x1f: {  	_ =	swait.ge [sflag:s0], $0x400  }
0x20: {  	[sflag:s0] =	ssyncset.done $0x0  }
0x21: {  	[sflag:s0] =	ssyncadd.s32 $0xFFFFFC00  }
0x22: {  	_ =	swait.ge [sflag:s0], $0x400  }
0x23: {  	[sflag:s0] =	ssyncset.done $0x0  }
0x24: {  	[sflag:s0] =	ssyncadd.s32 $0xFFFFFC00  }
0x25: {  	_ =	swait.ge [sflag:s0], $0x400  }
0x26: {  	[sflag:s0] =	ssyncset.done $0x0  }
0x27: {  	[sflag:s0] =	ssyncadd.s32 $0xFFFFFC00  }
0x28: {  	_ =	swait.ge [sflag:s0], $0x400  }
0x29: {  	[sflag:s0] =	ssyncset.done $0x0  }
0x2a: {  	[sflag:s0] =	ssyncadd.s32 $0xFFFFFC00  }
0x2b: {  	_ =	swait.ge [sflag:s5], $0x400  }
0x2c: {  	[sflag:s5] =	ssyncset.done $0x0  }
0x2d: {  	[sflag:s5] =	ssyncadd.s32 $0xFFFFFC00  }
0x2e: {  	_ =	swait.ge [sflag:s5], $0x400  }
0x2f: {  	[sflag:s5] =	ssyncset.done $0x0  }
0x30: {  	[sflag:s5] =	ssyncadd.s32 $0xFFFFFC00  }
0x31: {  	_ =	swait.ge [sflag:s5], $0x400  }
0x32: {  	[sflag:s5] =	ssyncset.done $0x0  }
0x33: {  	[sflag:s5] =	ssyncadd.s32 $0xFFFFFC00  }
0x34: {  	_ =	swait.ge [sflag:s5], $0x400  }
0x35: {  	[sflag:s5] =	ssyncset.done $0x0  }
0x36: {  	[sflag:s5] =	ssyncadd.s32 $0xFFFFFC00  }
0x37: {  	_ =	swait.ge [sflag:s5], $0x400  }
0x38: {  	[sflag:s5] =	ssyncset.done $0x0  }
0x39: {  	[sflag:s5] =	ssyncadd.s32 $0xFFFFFC00  }
0x3a: {  	_ =	swait.ge [sflag:s5], $0x400  }
0x3b: {  	[sflag:s5] =	ssyncset.done $0x0  }
0x3c: {  	[sflag:s5] =	ssyncadd.s32 $0xFFFFFC00  }
0x3d: {  	_ =	swait.ge [sflag:s5], $0x400  }
0x3e: {  	[sflag:s5] =	ssyncset.done $0x0  }
0x3f: {  	[sflag:s5] =	ssyncadd.s32 $0xFFFFFC00  }
0x40: {  	_ =	swait.ge [sflag:s5], $0x400  }
0x41: {  	s1 =	rddreg [dreg:$0x8]  }
0x42: {  	s31 =	rddreg [dreg:$0x7];
	s1 =	sadd.s32 $0x1, s1  }
0x43: {  	p0 =	sne.s32 s1, s31  }
.Ltmp1:
0x44: {  	_ = 	snop;
	(pc) =	sbr.rel @!p0 .LBB2_13-.Ltmp1, $3  }
0x45: {  	_ =	sdelay $0x1  }
0x46: {  	[sflag:s5] =	ssyncset.done $0x0  }
0x47: {  	[sflag:s5] =	ssyncadd.s32 $0xFFFFFC00  }
.LBB2_1:
0x48: {  	[dreg:$0x8] =	wrdreg s1  }
0x49: {  	s0 =	rddreg [dreg:$0x3]  }
0x4a: {  	s25 =	simm.s32 $0x80;
	s2 =	simm.s32 $0x1000;
	s26 =	simm.s32 $0x5  }
0x4b: {  	[tilespmem:s3], [sflag:$0x5] =	stream.strided.gather [hbm4b:s0+s25], $0x6400, s2, s25, $0x38;
	[tilespmem:$0xE800] =	vst v63  }
0x4c: {  	_ =	swait.ge [sflag:s26], $0x6400  }
0x4d: {  	[sflag:s26] =	ssyncset.done $0x0  }
0x4e: {  	s28 =	simm.s32 $0x6400;
	[sflag:s26] =	ssyncadd.s32 $0xFFFF9C00  }
0x4f: {  	[tilespmem:s28], [sflag:$0x1] =	stream.indirect.gather [hbm4b:s4+s25], $0x40, s3, s25, $0xb8;
	[tilespmem:$0xE800] =	vst v63  }
0x50: {  	s31 =	simm.s32 $0x8400  }
0x51: {  	[tilespmem:s31], [sflag:$0x2] =	stream.indirect.gather [hbm4b:s4+s25], $0x40, s25, s25, $0xb8;
	[tilespmem:$0xE800] =	vst v63  }
0x52: {  	s25 =	simm.s32 $0x0  }
.LBB2_2:
0x53: {  	_ =	swait.ge [sflag:s29], $0x2000  }
0x54: {  	p0 =	seq.s32 s25, $0x0;
	[sflag:s29] =	ssyncset.done $0x0  }
0x55: {  	s0 =	simm.s32 @!p0 $0x3;
	[sflag:s29] =	ssyncadd.s32 $0xFFFFE000  }
0x56: {  	_ =	swait.ge @!p0 [sflag:s0], $0x400  }
0x57: {  	[sflag:s0] =	ssyncset.done @!p0 $0x0  }
0x58: {  	[sflag:s0] =	ssyncadd.s32 @!p0 $0xFFFFFC00  }
0x59: {  	_ =	swait.ge @!p0 [sflag:s0], $0x400  }
0x5a: {  	[sflag:s0] =	ssyncset.done @!p0 $0x0  }
0x5b: {  	[sflag:s0] =	ssyncadd.s32 @!p0 $0xFFFFFC00  }
0x5c: {  	_ =	swait.ge @!p0 [sflag:s0], $0x400  }
0x5d: {  	[sflag:s0] =	ssyncset.done @!p0 $0x0  }
0x5e: {  	[sflag:s0] =	ssyncadd.s32 @!p0 $0xFFFFFC00  }
0x5f: {  	_ =	swait.ge @!p0 [sflag:s0], $0x400  }
0x60: {  	[sflag:s0] =	ssyncset.done @!p0 $0x0  }
0x61: {  	[sflag:s0] =	ssyncadd.s32 @!p0 $0xFFFFFC00  }
0x62: {  	_ =	swait.ge @!p0 [sflag:s0], $0x400  }
0x63: {  	[sflag:s0] =	ssyncset.done @!p0 $0x0  }
0x64: {  	[sflag:s0] =	ssyncadd.s32 @!p0 $0xFFFFFC00  }
0x65: {  	_ =	swait.ge @!p0 [sflag:s0], $0x400  }
0x66: {  	[sflag:s0] =	ssyncset.done @!p0 $0x0  }
0x67: {  	[sflag:s0] =	ssyncadd.s32 @!p0 $0xFFFFFC00  }
0x68: {  	_ =	swait.ge @!p0 [sflag:s0], $0x400  }
0x69: {  	[sflag:s0] =	ssyncset.done @!p0 $0x0  }
0x6a: {  	[sflag:s0] =	ssyncadd.s32 @!p0 $0xFFFFFC00  }
0x6b: {  	_ =	swait.ge @!p0 [sflag:s0], $0x400  }
0x6c: {  	[sflag:s0] =	ssyncset.done @!p0 $0x0  }
0x6d: {  	s1 =	simm.s32 $0x1;
	[sflag:s0] =	ssyncadd.s32 @!p0 $0xFFFFFC00;
	s0 =	simm.s32 $0x6440  }
0x6e: {  	v4 =	vmov s1;
	v5 =	vld [tilespmem:s0+$0x0]  }
0x6f: {  	v9 =	vand.u32 $0x7F, v4  }
0x70: {  	v4 =	vadd.s32 v0, v9  }
0x71: {  	s23 =	simm.s32 $0x0  }
0x72: {  	v6 =	vmov s23;
	v7 =	vld [tilespmem:s0+$0xFFFFFFC0]  }
0x73: {  	v14 =	vand.u32 $0x7E, v6;
	v5 =	vmul.f32 $1.250000000e-01, v5  }
0x74: {  	s26 =	simm.s32 $0x3;
	s2 =	simm.s32 $0x64C0;
	v6 =	vadd.s32 v0, v14  }
0x75: {  	v8 =	vld [tilespmem:s2+$0x0];
	[tilespmem:v4+s30+$0x0] =	vst.idx.msk $0xffff, v5;
	v4 =	vmov s26  }
0x76: {  	v4 =	vand.u32 $0x7F, v4;
	v10 =	vld [tilespmem:s0+$0x10]  }
0x77: {  	v5 =	vmul.f32 $1.250000000e-01, v7;
	v7 =	vadd.s32 v0, v4  }
0x78: {  	s6 =	simm.s32 $0x2;
	v11 =	vadd.s32 v1, v9  }
0x79: {  	v12 =	vld [tilespmem:s2+$0xFFFFFFC0];
	[tilespmem:v6+s30+$0x0] =	vst.idx.msk $0xffff, v5;
	v5 =	vmov s6  }
0x7a: {  	v6 =	vmul.f32 $1.250000000e-01, v8;
	v5 =	vand.u32 $0x7E, v5;
	v8 =	vld [tilespmem:s0+$0xFFFFFFD0]  }
0x7b: {  	s7 =	simm.s32 $0x5;
	s28 =	simm.s32 $0x6540;
	v13 =	vadd.s32 v0, v5;
	v10 =	vmul.f32 $1.250000000e-01, v10  }
0x7c: {  	v15 =	vld [tilespmem:s28+$0x0];
	[tilespmem:v7+s30+$0x0] =	vst.idx.msk $0xffff, v6;
	v7 =	vadd.s32 v1, v14;
	v6 =	vmov s7  }
0x7d: {  	[tilespmem:v11+s30+$0x0] =	vst.idx.msk $0xffff, v10;
	v6 =	vand.u32 $0x7F, v6;
	v10 =	vld [tilespmem:s2+$0x10]  }
0x7e: {  	v11 =	vmul.f32 $1.250000000e-01, v12;
	v12 =	vadd.s32 v0, v6;
	v16 =	vld [tilespmem:s0+$0x20]  }
0x7f: {  	s8 =	simm.s32 $0x4;
	v17 =	vadd.s32 v1, v4;
	v8 =	vmul.f32 $1.250000000e-01, v8  }
0x80: {  	v18 =	vadd.s32 v2, v9;
	[tilespmem:v13+s30+$0x0] =	vst.idx.msk $0xffff, v11;
	v11 =	vmov s8;
	v13 =	vld [tilespmem:s28+$0xFFFFFFC0]  }
0x81: {  	[tilespmem:v7+s30+$0x0] =	vst.idx.msk $0xffff, v8;
	v7 =	vand.u32 $0x7E, v11;
	v8 =	vmul.f32 $1.250000000e-01, v15;
	v11 =	vld [tilespmem:s2+$0xFFFFFFD0]  }
0x82: {  	s31 =	simm.s32 $0x65C0;
	s23 =	simm.s32 $0x7;
	v15 =	vadd.s32 v0, v7;
	v10 =	vmul.f32 $1.250000000e-01, v10;
	v19 =	vld [tilespmem:s0+$0xFFFFFFE0]  }
0x83: {  	v20 =	vld [tilespmem:s31+$0x0];
	[tilespmem:v12+s30+$0x0] =	vst.idx.msk $0xffff, v8;
	v12 =	vadd.s32 v1, v5;
	v16 =	vmul.f32 $1.250000000e-01, v16;
	v8 =	vmov s23  }
0x84: {  	[tilespmem:v17+s30+$0x0] =	vst.idx.msk $0xffff, v10;
	v10 =	vadd.s32 v2, v14;
	v8 =	vand.u32 $0x7F, v8;
	v17 =	vld [tilespmem:s28+$0x10]  }
0x85: {  	v13 =	vmul.f32 $1.250000000e-01, v13;
	[tilespmem:v18+s30+$0x0] =	vst.idx.msk $0xffff, v16;
	v16 =	vadd.s32 v0, v8;
	v18 =	vld [tilespmem:s2+$0x20]  }
0x86: {  	s26 =	simm.s32 $0x6;
	v21 =	vadd.s32 v1, v6;
	v11 =	vmul.f32 $1.250000000e-01, v11;
	v22 =	vld [tilespmem:s0+$0x30]  }
0x87: {  	v23 =	vadd.s32 v2, v4;
	[tilespmem:v15+s30+$0x0] =	vst.idx.msk $0xffff, v13;
	v13 =	vmul.f32 $1.250000000e-01, v19;
	v15 =	vld [tilespmem:s31+$0xFFFFFFC0];
	v19 =	vmov s26  }
0x88: {  	v25 =	vadd.s32 v3, v9;
	[tilespmem:v12+s30+$0x0] =	vst.idx.msk $0xffff, v11;
	v12 =	vmul.f32 $1.250000000e-01, v20;
	v24 =	vld [tilespmem:s28+$0xFFFFFFD0];
	v9 =	vand.u32 $0x7E, v19  }
0x89: {  	[tilespmem:v10+s30+$0x0] =	vst.idx.msk $0xffff, v13;
	v10 =	vmul.f32 $1.250000000e-01, v17;
	v11 =	vld [tilespmem:s2+$0xFFFFFFE0];
	v17 =	vadd.s32 v0, v9  }
0x8a: {  	s1 =	simm.s32 $0x6640;
	s6 =	simm.s32 $0x9;
	[tilespmem:v16+s30+$0x0] =	vst.idx.msk $0xffff, v12;
	v20 =	vmul.f32 $1.250000000e-01, v18;
	v12 =	vld [tilespmem:s0+$0xFFFFFFF0];
	v16 =	vadd.s32 v1, v7  }
0x8b: {  	v19 =	vld [tilespmem:s1+$0x0];
	v13 =	vadd.s32 v2, v5;
	v18 =	vmov s6;
	[tilespmem:v21+s30+$0x0] =	vst.idx.msk $0xffff, v10;
	v26 =	vmul.f32 $1.250000000e-01, v22  }
0x8c: {  	s23 =	simm.s32 $0xA;
	v14 =	vadd.s32 v3, v14;
	v10 =	vand.u32 $0x7F, v18;
	v18 =	vld [tilespmem:s31+$0x10];
	v22 =	vmul.f32 $1.250000000e-01, v15;
	[tilespmem:v23+s30+$0x0] =	vst.idx.msk $0xffff, v20  }
0x8d: {  	s26 =	sshll.u32 s25, $0xA;
	s6 =	simm.s32 $0x8;
	s0 =	simm.s32 $0x6640;
	v20 =	vadd.s32 v0, v10;
	v15 =	vld [tilespmem:s28+$0x20];
	v21 =	vmul.f32 $1.250000000e-01, v24;
	[tilespmem:v25+s30+$0x0] =	vst.idx.msk $0xffff, v26  }
.LBB2_3:
0x8e: {  	p1 =	slt.u32 s23, $0x7E;
	[tilespmem:v17+s30+$0x0] =	vst.idx.msk $0xffff, v22;
	v22 =	vadd.s32 v1, v8;
	v11 =	vmul.f32 $1.250000000e-01, v11;
	v23 =	vld [tilespmem:s2+$0x30]  }
0x8f: {  	v17 =	vmov s6;
	s6 =	smov.u32 s23;
	v24 =	vld [tilespmem:s1+$0xFFFFFFC0];
	[tilespmem:v16+s30+$0x0] =	vst.idx.msk $0xffff, v21;
	v21 =	vadd.s32 v2, v6;
	v12 =	vmul.f32 $1.250000000e-01, v12  }
0x90: {  	v27 =	vadd.s32 v3, v4;
	v4 =	vmovc v6;
	v25 =	vand.u32 $0x7E, v17;
	v16 =	vmul.f32 $1.250000000e-01, v19;
	v26 =	vld [tilespmem:s31+$0xFFFFFFD0];
	[tilespmem:v13+s30+$0x0] =	vst.idx.msk $0xffff, v11  }
.Ltmp2:
0x91: {  	v6 =	vmovc v8;
	v8 =	vmov v10;
	v17 =	vadd.s32 v0, v25;
	v13 =	vmul.f32 $1.250000000e-01, v18;
	v11 =	vld [tilespmem:s28+$0xFFFFFFE0];
	[tilespmem:v14+s30+$0x0] =	vst.idx.msk $0xffff, v12;
	(pc) =	sbr.rel @p1 .LBB2_3-.Ltmp2, $4  }
0x92: {  	s7 =	sadd.s32 $0x1, s23;
	s1 =	sadd.s32 $0x80, s1;
	[tilespmem:v20+s30+$0x0] =	vst.idx.msk $0xffff, v16;
	v16 =	vadd.s32 v1, v9;
	v14 =	vmul.f32 $1.250000000e-01, v15;
	v12 =	vld [tilespmem:s2+$0xFFFFFFF0];
	s2 =	smov.u32 s28  }
0x93: {  	v10 =	vmov s7;
	s28 =	smov.u32 s31;
	s31 =	smov.u32 s0;
	s0 =	smov.u32 s1;
	v19 =	vld [tilespmem:s1+$0x0];
	[tilespmem:v22+s30+$0x0] =	vst.idx.msk $0xffff, v13;
	v13 =	vadd.s32 v2, v7;
	v23 =	vmul.f32 $1.250000000e-01, v23  }
0x94: {  	v10 =	vand.u32 $0x7F, v10;
	v22 =	vmul.f32 $1.250000000e-01, v24;
	v18 =	vld [tilespmem:s31+$0x10];
	[tilespmem:v21+s30+$0x0] =	vst.idx.msk $0xffff, v14;
	v14 =	vadd.s32 v3, v5;
	v5 =	vmovc v7  }
0x95: {  	s23 =	sadd.s32 $0x2, s23;
	v20 =	vadd.s32 v0, v10;
	v7 =	vmovc v9;
	v9 =	vmov v25;
	v21 =	vmul.f32 $1.250000000e-01, v26;
	v15 =	vld [tilespmem:s28+$0x20];
	[tilespmem:v27+s30+$0x0] =	vst.idx.msk $0xffff, v23  }
0x96: {  	_ = 	snop  }
0x97: {  	v23 =	vmov s6;
	v24 =	vld [tilespmem:s1+$0xFFFFFFC0]  }
0x98: {  	v23 =	vand.u32 $0x7E, v23  }
0x99: {  	v25 =	vadd.s32 v0, v23;
	v19 =	vmul.f32 $1.250000000e-01, v19  }
0x9a: {  	[tilespmem:v17+s30+$0x0] =	vst.idx.msk $0xffff, v22  }
0x9b: {  	v22 =	vld [tilespmem:s31+$0xFFFFFFD0];
	[tilespmem:v20+s30+$0x0] =	vst.idx.msk $0xffff, v19  }
0x9c: {  	v63 =	vadd.s32 v1, v8;
	v62 =	vmul.f32 $1.250000000e-01, v24;
	v20 =	vld [tilespmem:s0+$0x10]  }
0x9d: {  	v28 =	vadd.s32 v1, v9  }
0x9e: {  	v30 =	vadd.s32 v1, v10;
	[tilespmem:v25+s30+$0x0] =	vst.idx.msk $0xffff, v62  }
0x9f: {  	v18 =	vmul.f32 $1.250000000e-01, v18;
	v29 =	vld [tilespmem:s0+$0xFFFFFFD0]  }
0xa0: {  	[tilespmem:v16+s30+$0x0] =	vst.idx.msk $0xffff, v21;
	v31 =	vmul.f32 $1.250000000e-01, v22  }
0xa1: {  	v26 =	vadd.s32 v1, v23;
	v32 =	vld [tilespmem:s28+$0xFFFFFFE0];
	[tilespmem:v63+s30+$0x0] =	vst.idx.msk $0xffff, v18;
	v33 =	vmul.f32 $1.250000000e-01, v20  }
0xa2: {  	v34 =	vadd.s32 v2, v6;
	v11 =	vmul.f32 $1.250000000e-01, v11;
	v35 =	vld [tilespmem:s31+$0x20];
	[tilespmem:v28+s30+$0x0] =	vst.idx.msk $0xffff, v31  }
0xa3: {  	v37 =	vadd.s32 v2, v7;
	v12 =	vmul.f32 $1.250000000e-01, v12;
	v38 =	vld [tilespmem:s31+$0xFFFFFFE0];
	[tilespmem:v30+s30+$0x0] =	vst.idx.msk $0xffff, v33  }
0xa4: {  	v39 =	vadd.s32 v2, v8;
	[tilespmem:v13+s30+$0x0] =	vst.idx.msk $0xffff, v11;
	v36 =	vmul.f32 $1.250000000e-01, v29;
	v40 =	vld [tilespmem:s0+$0x20]  }
0xa5: {  	v42 =	vadd.s32 v2, v9;
	v44 =	vld [tilespmem:s2+$0x30];
	[tilespmem:v14+s30+$0x0] =	vst.idx.msk $0xffff, v12;
	v41 =	vmul.f32 $1.250000000e-01, v15  }
0xa6: {  	v46 =	vadd.s32 v2, v10;
	v47 =	vld [tilespmem:s2+$0xFFFFFFF0];
	v45 =	vmul.f32 $1.250000000e-01, v32;
	[tilespmem:v26+s30+$0x0] =	vst.idx.msk $0xffff, v36  }
0xa7: {  	v4 =	vadd.s32 v3, v4;
	[tilespmem:v34+s30+$0x0] =	vst.idx.msk $0xffff, v41;
	v48 =	vmul.f32 $1.250000000e-01, v35;
	v43 =	vld [tilespmem:s0+$0xFFFFFFE0]  }
0xa8: {  	v5 =	vadd.s32 v3, v5;
	[tilespmem:v37+s30+$0x0] =	vst.idx.msk $0xffff, v45;
	v20 =	vld [tilespmem:s28+$0x30];
	v50 =	vmul.f32 $1.250000000e-01, v38  }
0xa9: {  	v49 =	vadd.s32 v2, v23;
	v51 =	vld [tilespmem:s28+$0xFFFFFFF0];
	[tilespmem:v39+s30+$0x0] =	vst.idx.msk $0xffff, v48;
	v52 =	vmul.f32 $1.250000000e-01, v40  }
0xaa: {  	v53 =	vadd.s32 v3, v6;
	v56 =	vmul.f32 $1.250000000e-01, v44;
	v54 =	vld [tilespmem:s31+$0x30];
	[tilespmem:v42+s30+$0x0] =	vst.idx.msk $0xffff, v50  }
0xab: {  	v57 =	vadd.s32 v3, v7;
	v59 =	vmul.f32 $1.250000000e-01, v47;
	v58 =	vld [tilespmem:s31+$0xFFFFFFF0];
	[tilespmem:v46+s30+$0x0] =	vst.idx.msk $0xffff, v52  }
0xac: {  	v60 =	vadd.s32 v3, v8;
	[tilespmem:v4+s30+$0x0] =	vst.idx.msk $0xffff, v56;
	v55 =	vmul.f32 $1.250000000e-01, v43;
	v14 =	vld [tilespmem:s0+$0x30]  }
0xad: {  	v61 =	vadd.s32 v3, v9;
	[tilespmem:v5+s30+$0x0] =	vst.idx.msk $0xffff, v59;
	v4 =	vmul.f32 $1.250000000e-01, v20  }
0xae: {  	v62 =	vadd.s32 v3, v10;
	v5 =	vmul.f32 $1.250000000e-01, v51;
	[tilespmem:v49+s30+$0x0] =	vst.idx.msk $0xffff, v55  }
0xaf: {  	[tilespmem:v53+s30+$0x0] =	vst.idx.msk $0xffff, v4;
	v4 =	vmul.f32 $1.250000000e-01, v54;
	v12 =	vld [tilespmem:s0+$0xFFFFFFF0]  }
0xb0: {  	[tilespmem:v57+s30+$0x0] =	vst.idx.msk $0xffff, v5;
	v5 =	vmul.f32 $1.250000000e-01, v58  }
0xb1: {  	v63 =	vadd.s32 v3, v23;
	[tilespmem:v60+s30+$0x0] =	vst.idx.msk $0xffff, v4;
	v4 =	vmul.f32 $1.250000000e-01, v14  }
0xb2: {  	[tilespmem:v61+s30+$0x0] =	vst.idx.msk $0xffff, v5  }
0xb3: {  	[tilespmem:v62+s30+$0x0] =	vst.idx.msk $0xffff, v4  }
0xb4: {  	s7 =	sshll.u32 s25, $0x10;
	v5 =	vmul.f32 $1.250000000e-01, v12;
	s8 =	rddreg [dreg:$0x4]  }
0xb5: {  	s23 =	rddreg [dreg:$0x1];
	s2 =	sor.u32 s8, s7  }
0xb6: {  	[tilespmem:v63+s30+$0x0] =	vst.idx.msk $0xffff, v5;
	s0 =	sadd.s32 s23, s2  }
0xb7: {  	[hbm4b:s0+s3] =	stream.linear.scatter [tilespmem:s30], [sflag:$0x3], $0x80, $0x38;
	[tilespmem:$0xE800] =	vst v63  }
0xb8: {  	s31 =	simm.s32 $0xA488;
	s28 =	sadd.s32 $0x10, s0  }
0xb9: {  	[hbm4b:s28+s3] =	stream.linear.scatter [tilespmem:s31], [sflag:$0x3], $0x80, $0x38;
	[tilespmem:$0xE800] =	vst v63  }
0xba: {  	s7 =	simm.s32 $0xA510;
	s6 =	sadd.s32 $0x20, s0  }
0xbb: {  	[hbm4b:s6+s3] =	stream.linear.scatter [tilespmem:s7], [sflag:$0x3], $0x80, $0x38;
	[tilespmem:$0xE800] =	vst v63  }
0xbc: {  	s23 =	simm.s32 $0xA598;
	s8 =	sadd.s32 $0x30, s0  }
0xbd: {  	[hbm4b:s8+s3] =	stream.linear.scatter [tilespmem:s23], [sflag:$0x3], $0x80, $0x38;
	[tilespmem:$0xE800] =	vst v63  }
0xbe: {  	s28 =	sadd.s32 $0x40, s0;
	s31 =	simm.s32 $0xA620  }
0xbf: {  	[hbm4b:s28+s3] =	stream.linear.scatter [tilespmem:s31], [sflag:$0x3], $0x80, $0x38;
	[tilespmem:$0xE800] =	vst v63  }
0xc0: {  	s7 =	sadd.s32 $0x50, s0;
	s8 =	simm.s32 $0xA6A8  }
0xc1: {  	[hbm4b:s7+s3] =	stream.linear.scatter [tilespmem:s8], [sflag:$0x3], $0x80, $0x38;
	[tilespmem:$0xE800] =	vst v63  }
0xc2: {  	s23 =	sadd.s32 $0x60, s0;
	s28 =	simm.s32 $0xA730  }
0xc3: {  	[hbm4b:s23+s3] =	stream.linear.scatter [tilespmem:s28], [sflag:$0x3], $0x80, $0x38;
	[tilespmem:$0xE800] =	vst v63  }
0xc4: {  	s6 =	rddreg [dreg:$0x5];
	s0 =	sadd.s32 $0x70, s0;
	s31 =	simm.s32 $0xA7B8  }
0xc5: {  	[hbm4b:s0+s3] =	stream.linear.scatter [tilespmem:s31], [sflag:$0x3], $0x80, $0x38;
	[tilespmem:$0xE800] =	vst v63  }
0xc6: {  	s7 =	simm.s32 $0xA840;
	s0 =	sadd.s32 s2, s6  }
0xc7: {  	[hbm4b:s0+s3] =	stream.linear.scatter [tilespmem:s7], [sflag:$0x3], $0x80, $0x38;
	[tilespmem:$0xE800] =	vst v63  }
0xc8: {  	s23 =	simm.s32 $0xA8C8;
	s8 =	sadd.s32 $0x10, s0  }
0xc9: {  	[hbm4b:s8+s3] =	stream.linear.scatter [tilespmem:s23], [sflag:$0x3], $0x80, $0x38;
	[tilespmem:$0xE800] =	vst v63  }
0xca: {  	s31 =	simm.s32 $0xA950;
	s28 =	sadd.s32 $0x20, s0  }
0xcb: {  	[hbm4b:s28+s3] =	stream.linear.scatter [tilespmem:s31], [sflag:$0x3], $0x80, $0x38;
	[tilespmem:$0xE800] =	vst v63  }
0xcc: {  	s6 =	sadd.s32 $0x30, s0;
	s7 =	simm.s32 $0xA9D8  }
0xcd: {  	[hbm4b:s6+s3] =	stream.linear.scatter [tilespmem:s7], [sflag:$0x3], $0x80, $0x38;
	[tilespmem:$0xE800] =	vst v63  }
0xce: {  	s8 =	sadd.s32 $0x40, s0;
	s23 =	simm.s32 $0xAA60  }
0xcf: {  	[hbm4b:s8+s3] =	stream.linear.scatter [tilespmem:s23], [sflag:$0x3], $0x80, $0x38;
	[tilespmem:$0xE800] =	vst v63  }
0xd0: {  	s28 =	sadd.s32 $0x50, s0;
	s31 =	simm.s32 $0xAAE8  }
0xd1: {  	[hbm4b:s28+s3] =	stream.linear.scatter [tilespmem:s31], [sflag:$0x3], $0x80, $0x38;
	[tilespmem:$0xE800] =	vst v63  }
0xd2: {  	s7 =	sadd.s32 $0x60, s0;
	s8 =	simm.s32 $0xAB70  }
0xd3: {  	[hbm4b:s7+s3] =	stream.linear.scatter [tilespmem:s8], [sflag:$0x3], $0x80, $0x38;
	[tilespmem:$0xE800] =	vst v63  }
0xd4: {  	s0 =	sadd.s32 $0x70, s0;
	s23 =	simm.s32 $0xABF8;
	s28 =	rddreg [dreg:$0x6]  }
0xd5: {  	[hbm4b:s0+s3] =	stream.linear.scatter [tilespmem:s23], [sflag:$0x3], $0x80, $0x38;
	[tilespmem:$0xE800] =	vst v63  }
0xd6: {  	s31 =	simm.s32 $0xAC80;
	s0 =	sadd.s32 s2, s28  }
0xd7: {  	[hbm4b:s0+s3] =	stream.linear.scatter [tilespmem:s31], [sflag:$0x3], $0x80, $0x38;
	[tilespmem:$0xE800] =	vst v63  }
0xd8: {  	s7 =	simm.s32 $0xAD08;
	s6 =	sadd.s32 $0x10, s0  }
0xd9: {  	[hbm4b:s6+s3] =	stream.linear.scatter [tilespmem:s7], [sflag:$0x3], $0x80, $0x38;
	[tilespmem:$0xE800] =	vst v63  }
0xda: {  	s23 =	simm.s32 $0xAD90;
	s8 =	sadd.s32 $0x20, s0  }
0xdb: {  	[hbm4b:s8+s3] =	stream.linear.scatter [tilespmem:s23], [sflag:$0x3], $0x80, $0x38;
	[tilespmem:$0xE800] =	vst v63  }
0xdc: {  	s28 =	sadd.s32 $0x30, s0;
	s31 =	simm.s32 $0xAE18  }
0xdd: {  	[hbm4b:s28+s3] =	stream.linear.scatter [tilespmem:s31], [sflag:$0x3], $0x80, $0x38;
	[tilespmem:$0xE800] =	vst v63  }
0xde: {  	s6 =	sadd.s32 $0x40, s0;
	s7 =	simm.s32 $0xAEA0  }
0xdf: {  	[hbm4b:s6+s3] =	stream.linear.scatter [tilespmem:s7], [sflag:$0x3], $0x80, $0x38;
	[tilespmem:$0xE800] =	vst v63  }
0xe0: {  	s8 =	sadd.s32 $0x50, s0;
	s23 =	simm.s32 $0xAF28  }
0xe1: {  	[hbm4b:s8+s3] =	stream.linear.scatter [tilespmem:s23], [sflag:$0x3], $0x80, $0x38;
	[tilespmem:$0xE800] =	vst v63  }
0xe2: {  	s28 =	sadd.s32 $0x60, s0;
	s31 =	simm.s32 $0xAFB0  }
0xe3: {  	[hbm4b:s28+s3] =	stream.linear.scatter [tilespmem:s31], [sflag:$0x3], $0x80, $0x38;
	[tilespmem:$0xE800] =	vst v63  }
0xe4: {  	s0 =	sadd.s32 $0x70, s0;
	s6 =	simm.s32 $0xB038  }
0xe5: {  	[hbm4b:s0+s3] =	stream.linear.scatter [tilespmem:s6], [sflag:$0x3], $0x80, $0x38;
	[tilespmem:$0xE800] =	vst v63  }
0xe6: {  	s7 =	simm.s32 $0xB0C0;
	s0 =	sadd.s32 s2, s9  }
0xe7: {  	[hbm4b:s0+s3] =	stream.linear.scatter [tilespmem:s7], [sflag:$0x3], $0x80, $0x38;
	[tilespmem:$0xE800] =	vst v63  }
0xe8: {  	s23 =	simm.s32 $0xB148;
	s8 =	sadd.s32 $0x10, s0  }
0xe9: {  	[hbm4b:s8+s3] =	stream.linear.scatter [tilespmem:s23], [sflag:$0x3], $0x80, $0x38;
	[tilespmem:$0xE800] =	vst v63  }
0xea: {  	s31 =	simm.s32 $0xB1D0;
	s28 =	sadd.s32 $0x20, s0  }
0xeb: {  	[hbm4b:s28+s3] =	stream.linear.scatter [tilespmem:s31], [sflag:$0x3], $0x80, $0x38;
	[tilespmem:$0xE800] =	vst v63  }
0xec: {  	s6 =	sadd.s32 $0x30, s0;
	s7 =	simm.s32 $0xB258  }
0xed: {  	[hbm4b:s6+s3] =	stream.linear.scatter [tilespmem:s7], [sflag:$0x3], $0x80, $0x38;
	[tilespmem:$0xE800] =	vst v63  }
0xee: {  	s8 =	sadd.s32 $0x40, s0;
	s23 =	simm.s32 $0xB2E0  }
0xef: {  	[hbm4b:s8+s3] =	stream.linear.scatter [tilespmem:s23], [sflag:$0x3], $0x80, $0x38;
	[tilespmem:$0xE800] =	vst v63  }
0xf0: {  	s28 =	sadd.s32 $0x50, s0;
	s31 =	simm.s32 $0xB368  }
0xf1: {  	[hbm4b:s28+s3] =	stream.linear.scatter [tilespmem:s31], [sflag:$0x3], $0x80, $0x38;
	[tilespmem:$0xE800] =	vst v63  }
0xf2: {  	s6 =	sadd.s32 $0x60, s0;
	s7 =	simm.s32 $0xB3F0  }
0xf3: {  	[hbm4b:s6+s3] =	stream.linear.scatter [tilespmem:s7], [sflag:$0x3], $0x80, $0x38;
	[tilespmem:$0xE800] =	vst v63  }
0xf4: {  	s0 =	sadd.s32 $0x70, s0;
	s8 =	simm.s32 $0xB478  }
0xf5: {  	[hbm4b:s0+s3] =	stream.linear.scatter [tilespmem:s8], [sflag:$0x3], $0x80, $0x38;
	[tilespmem:$0xE800] =	vst v63  }
0xf6: {  	s23 =	simm.s32 $0xB500;
	s0 =	sadd.s32 s2, s10  }
0xf7: {  	[hbm4b:s0+s3] =	stream.linear.scatter [tilespmem:s23], [sflag:$0x3], $0x80, $0x38;
	[tilespmem:$0xE800] =	vst v63  }
0xf8: {  	s31 =	simm.s32 $0xB588;
	s28 =	sadd.s32 $0x10, s0  }
0xf9: {  	[hbm4b:s28+s3] =	stream.linear.scatter [tilespmem:s31], [sflag:$0x3], $0x80, $0x38;
	[tilespmem:$0xE800] =	vst v63  }
0xfa: {  	s7 =	simm.s32 $0xB610;
	s6 =	sadd.s32 $0x20, s0  }
0xfb: {  	[hbm4b:s6+s3] =	stream.linear.scatter [tilespmem:s7], [sflag:$0x3], $0x80, $0x38;
	[tilespmem:$0xE800] =	vst v63  }
0xfc: {  	s8 =	sadd.s32 $0x30, s0;
	s23 =	simm.s32 $0xB698  }
0xfd: {  	[hbm4b:s8+s3] =	stream.linear.scatter [tilespmem:s23], [sflag:$0x3], $0x80, $0x38;
	[tilespmem:$0xE800] =	vst v63  }
0xfe: {  	s28 =	sadd.s32 $0x40, s0;
	s31 =	simm.s32 $0xB720  }
0xff: {  	[hbm4b:s28+s3] =	stream.linear.scatter [tilespmem:s31], [sflag:$0x3], $0x80, $0x38;
	[tilespmem:$0xE800] =	vst v63  }
0x100: {  	s6 =	sadd.s32 $0x50, s0;
	s7 =	simm.s32 $0xB7A8  }
0x101: {  	[hbm4b:s6+s3] =	stream.linear.scatter [tilespmem:s7], [sflag:$0x3], $0x80, $0x38;
	[tilespmem:$0xE800] =	vst v63  }
0x102: {  	s8 =	sadd.s32 $0x60, s0;
	s23 =	simm.s32 $0xB830  }
0x103: {  	[hbm4b:s8+s3] =	stream.linear.scatter [tilespmem:s23], [sflag:$0x3], $0x80, $0x38;
	[tilespmem:$0xE800] =	vst v63  }
0x104: {  	s0 =	sadd.s32 $0x70, s0;
	s28 =	simm.s32 $0xB8B8  }
0x105: {  	[hbm4b:s0+s3] =	stream.linear.scatter [tilespmem:s28], [sflag:$0x3], $0x80, $0x38;
	[tilespmem:$0xE800] =	vst v63  }
0x106: {  	s31 =	simm.s32 $0xB940;
	s0 =	sadd.s32 s2, s11  }
0x107: {  	[hbm4b:s0+s3] =	stream.linear.scatter [tilespmem:s31], [sflag:$0x3], $0x80, $0x38;
	[tilespmem:$0xE800] =	vst v63  }
0x108: {  	s7 =	simm.s32 $0xB9C8;
	s6 =	sadd.s32 $0x10, s0  }
0x109: {  	[hbm4b:s6+s3] =	stream.linear.scatter [tilespmem:s7], [sflag:$0x3], $0x80, $0x38;
	[tilespmem:$0xE800] =	vst v63  }
0x10a: {  	s23 =	simm.s32 $0xBA50;
	s8 =	sadd.s32 $0x20, s0  }
0x10b: {  	[hbm4b:s8+s3] =	stream.linear.scatter [tilespmem:s23], [sflag:$0x3], $0x80, $0x38;
	[tilespmem:$0xE800] =	vst v63  }
0x10c: {  	s28 =	sadd.s32 $0x30, s0;
	s31 =	simm.s32 $0xBAD8  }
0x10d: {  	[hbm4b:s28+s3] =	stream.linear.scatter [tilespmem:s31], [sflag:$0x3], $0x80, $0x38;
	[tilespmem:$0xE800] =	vst v63  }
0x10e: {  	s6 =	sadd.s32 $0x40, s0;
	s7 =	simm.s32 $0xBB60  }
0x10f: {  	[hbm4b:s6+s3] =	stream.linear.scatter [tilespmem:s7], [sflag:$0x3], $0x80, $0x38;
	[tilespmem:$0xE800] =	vst v63  }
0x110: {  	s8 =	sadd.s32 $0x50, s0;
	s23 =	simm.s32 $0xBBE8  }
0x111: {  	[hbm4b:s8+s3] =	stream.linear.scatter [tilespmem:s23], [sflag:$0x3], $0x80, $0x38;
	[tilespmem:$0xE800] =	vst v63  }
0x112: {  	s28 =	sadd.s32 $0x60, s0;
	s31 =	simm.s32 $0xBC70  }
0x113: {  	[hbm4b:s28+s3] =	stream.linear.scatter [tilespmem:s31], [sflag:$0x3], $0x80, $0x38;
	[tilespmem:$0xE800] =	vst v63  }
0x114: {  	s0 =	sadd.s32 $0x70, s0;
	s6 =	simm.s32 $0xBCF8  }
0x115: {  	[hbm4b:s0+s3] =	stream.linear.scatter [tilespmem:s6], [sflag:$0x3], $0x80, $0x38;
	[tilespmem:$0xE800] =	vst v63  }
0x116: {  	s7 =	simm.s32 $0xBD80;
	s0 =	sadd.s32 s2, s12  }
0x117: {  	[hbm4b:s0+s3] =	stream.linear.scatter [tilespmem:s7], [sflag:$0x3], $0x80, $0x38;
	[tilespmem:$0xE800] =	vst v63  }
0x118: {  	s23 =	simm.s32 $0xBE08;
	s8 =	sadd.s32 $0x10, s0  }
0x119: {  	[hbm4b:s8+s3] =	stream.linear.scatter [tilespmem:s23], [sflag:$0x3], $0x80, $0x38;
	[tilespmem:$0xE800] =	vst v63  }
0x11a: {  	s31 =	simm.s32 $0xBE90;
	s28 =	sadd.s32 $0x20, s0  }
0x11b: {  	[hbm4b:s28+s3] =	stream.linear.scatter [tilespmem:s31], [sflag:$0x3], $0x80, $0x38;
	[tilespmem:$0xE800] =	vst v63  }
0x11c: {  	s6 =	sadd.s32 $0x30, s0;
	s7 =	simm.s32 $0xBF18  }
0x11d: {  	[hbm4b:s6+s3] =	stream.linear.scatter [tilespmem:s7], [sflag:$0x3], $0x80, $0x38;
	[tilespmem:$0xE800] =	vst v63  }
0x11e: {  	s8 =	sadd.s32 $0x40, s0;
	s23 =	simm.s32 $0xBFA0  }
0x11f: {  	[hbm4b:s8+s3] =	stream.linear.scatter [tilespmem:s23], [sflag:$0x3], $0x80, $0x38;
	[tilespmem:$0xE800] =	vst v63  }
0x120: {  	s28 =	sadd.s32 $0x50, s0;
	s31 =	simm.s32 $0xC028  }
0x121: {  	[hbm4b:s28+s3] =	stream.linear.scatter [tilespmem:s31], [sflag:$0x3], $0x80, $0x38;
	[tilespmem:$0xE800] =	vst v63  }
0x122: {  	s6 =	sadd.s32 $0x60, s0;
	s7 =	simm.s32 $0xC0B0  }
0x123: {  	[hbm4b:s6+s3] =	stream.linear.scatter [tilespmem:s7], [sflag:$0x3], $0x80, $0x38;
	[tilespmem:$0xE800] =	vst v63  }
0x124: {  	s0 =	sadd.s32 $0x70, s0;
	s8 =	simm.s32 $0xC138  }
0x125: {  	[hbm4b:s0+s3] =	stream.linear.scatter [tilespmem:s8], [sflag:$0x3], $0x80, $0x38;
	[tilespmem:$0xE800] =	vst v63  }
0x126: {  	s23 =	simm.s32 $0xC1C0;
	s0 =	sadd.s32 s2, s13  }
0x127: {  	[hbm4b:s0+s3] =	stream.linear.scatter [tilespmem:s23], [sflag:$0x3], $0x80, $0x38;
	[tilespmem:$0xE800] =	vst v63  }
0x128: {  	s31 =	simm.s32 $0xC248;
	s28 =	sadd.s32 $0x10, s0  }
0x129: {  	[hbm4b:s28+s3] =	stream.linear.scatter [tilespmem:s31], [sflag:$0x3], $0x80, $0x38;
	[tilespmem:$0xE800] =	vst v63  }
0x12a: {  	s7 =	simm.s32 $0xC2D0;
	s6 =	sadd.s32 $0x20, s0  }
0x12b: {  	[hbm4b:s6+s3] =	stream.linear.scatter [tilespmem:s7], [sflag:$0x3], $0x80, $0x38;
	[tilespmem:$0xE800] =	vst v63  }
0x12c: {  	s8 =	sadd.s32 $0x30, s0;
	s23 =	simm.s32 $0xC358  }
0x12d: {  	[hbm4b:s8+s3] =	stream.linear.scatter [tilespmem:s23], [sflag:$0x3], $0x80, $0x38;
	[tilespmem:$0xE800] =	vst v63  }
0x12e: {  	s28 =	sadd.s32 $0x40, s0;
	s31 =	simm.s32 $0xC3E0  }
0x12f: {  	[hbm4b:s28+s3] =	stream.linear.scatter [tilespmem:s31], [sflag:$0x3], $0x80, $0x38;
	[tilespmem:$0xE800] =	vst v63  }
0x130: {  	p1 =	sne.s32 s25, $0x63;
	s7 =	sadd.s32 $0x50, s0;
	s8 =	simm.s32 $0xC468  }
0x131: {  	[hbm4b:s7+s3] =	stream.linear.scatter [tilespmem:s8], [sflag:$0x3], $0x80, $0x38;
	[tilespmem:$0xE800] =	vst v63  }
.Ltmp3:
0x132: {  	_ = 	snop;
	(pc) =	sbr.rel @p1 .LBB2_6-.Ltmp3, $4  }
0x133: {  	s23 =	sadd.s32 $0x60, s0;
	s28 =	simm.s32 $0xC4F0  }
0x134: {  	[hbm4b:s23+s3] =	stream.linear.scatter [tilespmem:s28], [sflag:$0x3], $0x80, $0x38;
	[tilespmem:$0xE800] =	vst v63  }
0x135: {  	s0 =	sadd.s32 $0x70, s0;
	s31 =	simm.s32 $0xC578  }
0x136: {  	[hbm4b:s0+s3] =	stream.linear.scatter [tilespmem:s31], [sflag:$0x3], $0x80, $0x38;
	[tilespmem:$0xE800] =	vst v63  }
.Ltmp4:
0x137: {  	(pc) =	sbr.rel .LBB2_7-.Ltmp4, $4  }
0x138: {  	_ = 	snop  }
0x139: {  	_ =	swait.ge [sflag:s24], $0x2000  }
0x13a: {  	[sflag:s24] =	ssyncset.done $0x0  }
0x13b: {  	[sflag:s24] =	ssyncadd.s32 $0xFFFFE000  }
.LBB2_6:
0x13c: {  	s0 =	sshrl.u32 s26, $0x2;
	s1 =	simm.s32 $0x80  }
.Ltmp5:
0x13d: {  	s6 =	simm.s32 $0x6400;
	s0 =	sadd.s32 $0x100, s0;
	(pc) =	sbr.rel @p0 .LBB2_8-.Ltmp5, $4  }
0x13e: {  	[tilespmem:s6], [sflag:$0x1] =	stream.indirect.gather [hbm4b:s4+s1], $0x40, s0, s1, $0xb8;
	[tilespmem:$0xE800] =	vst v63  }
0x13f: {  	_ =	swait.ge [sflag:s24], $0x2000  }
0x140: {  	[sflag:s24] =	ssyncset.done $0x0  }
0x141: {  	[sflag:s24] =	ssyncadd.s32 $0xFFFFE000  }
.LBB2_7:
0x142: {  	_ =	swait.ge [sflag:s5], $0x400  }
0x143: {  	[sflag:s5] =	ssyncset.done $0x0  }
0x144: {  	[sflag:s5] =	ssyncadd.s32 $0xFFFFFC00  }
0x145: {  	_ =	swait.ge [sflag:s5], $0x400  }
0x146: {  	[sflag:s5] =	ssyncset.done $0x0  }
0x147: {  	[sflag:s5] =	ssyncadd.s32 $0xFFFFFC00  }
0x148: {  	_ =	swait.ge [sflag:s5], $0x400  }
0x149: {  	[sflag:s5] =	ssyncset.done $0x0  }
0x14a: {  	[sflag:s5] =	ssyncadd.s32 $0xFFFFFC00  }
0x14b: {  	_ =	swait.ge [sflag:s5], $0x400  }
0x14c: {  	[sflag:s5] =	ssyncset.done $0x0  }
0x14d: {  	[sflag:s5] =	ssyncadd.s32 $0xFFFFFC00  }
0x14e: {  	_ =	swait.ge [sflag:s5], $0x400  }
0x14f: {  	[sflag:s5] =	ssyncset.done $0x0  }
0x150: {  	[sflag:s5] =	ssyncadd.s32 $0xFFFFFC00  }
0x151: {  	_ =	swait.ge [sflag:s5], $0x400  }
0x152: {  	[sflag:s5] =	ssyncset.done $0x0  }
0x153: {  	[sflag:s5] =	ssyncadd.s32 $0xFFFFFC00  }
0x154: {  	_ =	swait.ge [sflag:s5], $0x400  }
0x155: {  	[sflag:s5] =	ssyncset.done $0x0  }
0x156: {  	[sflag:s5] =	ssyncadd.s32 $0xFFFFFC00  }
0x157: {  	_ =	swait.ge [sflag:s5], $0x400  }
0x158: {  	[sflag:s5] =	ssyncset.done $0x0  }
0x159: {  	[sflag:s5] =	ssyncadd.s32 $0xFFFFFC00  }
.LBB2_8:
0x15a: {  	s1 =	simm.s32 $0x8440;
	s0 =	simm.s32 $0x1  }
0x15b: {  	v4 =	vmov s0;
	v5 =	vld [tilespmem:s1+$0x0]  }
0x15c: {  	v9 =	vand.u32 $0x7F, v4  }
0x15d: {  	v4 =	vadd.s32 v0, v9  }
0x15e: {  	s6 =	simm.s32 $0x0  }
0x15f: {  	v6 =	vmov s6;
	v7 =	vld [tilespmem:s1+$0xFFFFFFC0]  }
0x160: {  	v14 =	vand.u32 $0x7E, v6;
	v5 =	vmul.f32 $1.250000000e-01, v5  }
0x161: {  	s7 =	simm.s32 $0x3;
	s28 =	simm.s32 $0x84C0;
	v6 =	vadd.s32 v0, v14  }
0x162: {  	v8 =	vld [tilespmem:s28+$0x0];
	[tilespmem:v4+s22+$0x0] =	vst.idx.msk $0xffff, v5;
	v4 =	vmov s7  }
0x163: {  	v4 =	vand.u32 $0x7F, v4;
	v10 =	vld [tilespmem:s1+$0x10]  }
0x164: {  	v5 =	vmul.f32 $1.250000000e-01, v7;
	v7 =	vadd.s32 v0, v4  }
0x165: {  	s8 =	simm.s32 $0x2;
	v11 =	vadd.s32 v1, v9  }
0x166: {  	v12 =	vld [tilespmem:s28+$0xFFFFFFC0];
	[tilespmem:v6+s22+$0x0] =	vst.idx.msk $0xffff, v5;
	v5 =	vmov s8  }
0x167: {  	v6 =	vmul.f32 $1.250000000e-01, v8;
	v5 =	vand.u32 $0x7E, v5;
	v8 =	vld [tilespmem:s1+$0xFFFFFFD0]  }
0x168: {  	s23 =	simm.s32 $0x5;
	s31 =	simm.s32 $0x8540;
	v13 =	vadd.s32 v0, v5;
	v10 =	vmul.f32 $1.250000000e-01, v10  }
0x169: {  	v15 =	vld [tilespmem:s31+$0x0];
	[tilespmem:v7+s22+$0x0] =	vst.idx.msk $0xffff, v6;
	v7 =	vadd.s32 v1, v14;
	v6 =	vmov s23  }
0x16a: {  	[tilespmem:v11+s22+$0x0] =	vst.idx.msk $0xffff, v10;
	v6 =	vand.u32 $0x7F, v6;
	v10 =	vld [tilespmem:s28+$0x10]  }
0x16b: {  	v11 =	vmul.f32 $1.250000000e-01, v12;
	v12 =	vadd.s32 v0, v6;
	v16 =	vld [tilespmem:s1+$0x20]  }
0x16c: {  	s6 =	simm.s32 $0x4;
	v17 =	vadd.s32 v1, v4;
	v8 =	vmul.f32 $1.250000000e-01, v8  }
0x16d: {  	v18 =	vadd.s32 v2, v9;
	[tilespmem:v13+s22+$0x0] =	vst.idx.msk $0xffff, v11;
	v11 =	vmov s6;
	v13 =	vld [tilespmem:s31+$0xFFFFFFC0]  }
0x16e: {  	[tilespmem:v7+s22+$0x0] =	vst.idx.msk $0xffff, v8;
	v7 =	vand.u32 $0x7E, v11;
	v8 =	vmul.f32 $1.250000000e-01, v15;
	v11 =	vld [tilespmem:s28+$0xFFFFFFD0]  }
0x16f: {  	s0 =	simm.s32 $0x85C0;
	s6 =	simm.s32 $0x7;
	v15 =	vadd.s32 v0, v7;
	v10 =	vmul.f32 $1.250000000e-01, v10;
	v19 =	vld [tilespmem:s1+$0xFFFFFFE0]  }
0x170: {  	v20 =	vld [tilespmem:s0+$0x0];
	[tilespmem:v12+s22+$0x0] =	vst.idx.msk $0xffff, v8;
	v12 =	vadd.s32 v1, v5;
	v16 =	vmul.f32 $1.250000000e-01, v16;
	v8 =	vmov s6  }
0x171: {  	[tilespmem:v17+s22+$0x0] =	vst.idx.msk $0xffff, v10;
	v10 =	vadd.s32 v2, v14;
	v8 =	vand.u32 $0x7F, v8;
	v17 =	vld [tilespmem:s31+$0x10]  }
0x172: {  	v13 =	vmul.f32 $1.250000000e-01, v13;
	[tilespmem:v18+s22+$0x0] =	vst.idx.msk $0xffff, v16;
	v16 =	vadd.s32 v0, v8;
	v18 =	vld [tilespmem:s28+$0x20]  }
0x173: {  	s7 =	simm.s32 $0x6;
	v21 =	vadd.s32 v1, v6;
	v11 =	vmul.f32 $1.250000000e-01, v11;
	v22 =	vld [tilespmem:s1+$0x30]  }
0x174: {  	v23 =	vadd.s32 v2, v4;
	[tilespmem:v15+s22+$0x0] =	vst.idx.msk $0xffff, v13;
	v13 =	vmul.f32 $1.250000000e-01, v19;
	v15 =	vld [tilespmem:s0+$0xFFFFFFC0];
	v19 =	vmov s7  }
0x175: {  	v25 =	vadd.s32 v3, v9;
	[tilespmem:v12+s22+$0x0] =	vst.idx.msk $0xffff, v11;
	v12 =	vmul.f32 $1.250000000e-01, v20;
	v24 =	vld [tilespmem:s31+$0xFFFFFFD0];
	v9 =	vand.u32 $0x7E, v19  }
0x176: {  	[tilespmem:v10+s22+$0x0] =	vst.idx.msk $0xffff, v13;
	v10 =	vmul.f32 $1.250000000e-01, v17;
	v11 =	vld [tilespmem:s28+$0xFFFFFFE0];
	v17 =	vadd.s32 v0, v9  }
0x177: {  	s8 =	simm.s32 $0x9;
	s23 =	simm.s32 $0x8640;
	[tilespmem:v16+s22+$0x0] =	vst.idx.msk $0xffff, v12;
	v20 =	vmul.f32 $1.250000000e-01, v18;
	v12 =	vld [tilespmem:s1+$0xFFFFFFF0];
	v16 =	vadd.s32 v1, v7  }
0x178: {  	v19 =	vld [tilespmem:s23+$0x0];
	v13 =	vadd.s32 v2, v5;
	v18 =	vmov s8;
	[tilespmem:v21+s22+$0x0] =	vst.idx.msk $0xffff, v10;
	v26 =	vmul.f32 $1.250000000e-01, v22  }
0x179: {  	v14 =	vadd.s32 v3, v14;
	v10 =	vand.u32 $0x7F, v18;
	v18 =	vld [tilespmem:s0+$0x10];
	v22 =	vmul.f32 $1.250000000e-01, v15;
	[tilespmem:v23+s22+$0x0] =	vst.idx.msk $0xffff, v20  }
0x17a: {  	s6 =	simm.s32 $0xA;
	s7 =	simm.s32 $0x8;
	s1 =	simm.s32 $0x8640;
	v20 =	vadd.s32 v0, v10;
	v15 =	vld [tilespmem:s31+$0x20];
	v21 =	vmul.f32 $1.250000000e-01, v24;
	[tilespmem:v25+s22+$0x0] =	vst.idx.msk $0xffff, v26  }
.LBB2_9:
0x17b: {  	p0 =	slt.u32 s6, $0x7E;
	[tilespmem:v17+s22+$0x0] =	vst.idx.msk $0xffff, v22;
	v22 =	vadd.s32 v1, v8;
	v11 =	vmul.f32 $1.250000000e-01, v11;
	v23 =	vld [tilespmem:s28+$0x30]  }
0x17c: {  	v17 =	vmov s7;
	s7 =	smov.u32 s6;
	v24 =	vld [tilespmem:s23+$0xFFFFFFC0];
	[tilespmem:v16+s22+$0x0] =	vst.idx.msk $0xffff, v21;
	v21 =	vadd.s32 v2, v6;
	v12 =	vmul.f32 $1.250000000e-01, v12  }
0x17d: {  	v27 =	vadd.s32 v3, v4;
	v4 =	vmovc v6;
	v25 =	vand.u32 $0x7E, v17;
	v16 =	vmul.f32 $1.250000000e-01, v19;
	v26 =	vld [tilespmem:s0+$0xFFFFFFD0];
	[tilespmem:v13+s22+$0x0] =	vst.idx.msk $0xffff, v11  }
.Ltmp6:
0x17e: {  	v6 =	vmovc v8;
	v8 =	vmov v10;
	v17 =	vadd.s32 v0, v25;
	v13 =	vmul.f32 $1.250000000e-01, v18;
	v11 =	vld [tilespmem:s31+$0xFFFFFFE0];
	[tilespmem:v14+s22+$0x0] =	vst.idx.msk $0xffff, v12;
	(pc) =	sbr.rel @p0 .LBB2_9-.Ltmp6, $4  }
0x17f: {  	s8 =	sadd.s32 $0x1, s6;
	s23 =	sadd.s32 $0x80, s23;
	[tilespmem:v20+s22+$0x0] =	vst.idx.msk $0xffff, v16;
	v16 =	vadd.s32 v1, v9;
	v14 =	vmul.f32 $1.250000000e-01, v15;
	v12 =	vld [tilespmem:s28+$0xFFFFFFF0];
	s28 =	smov.u32 s31  }
0x180: {  	v10 =	vmov s8;
	s31 =	smov.u32 s0;
	s0 =	smov.u32 s1;
	s1 =	smov.u32 s23;
	v19 =	vld [tilespmem:s23+$0x0];
	[tilespmem:v22+s22+$0x0] =	vst.idx.msk $0xffff, v13;
	v13 =	vadd.s32 v2, v7;
	v23 =	vmul.f32 $1.250000000e-01, v23  }
0x181: {  	v10 =	vand.u32 $0x7F, v10;
	v22 =	vmul.f32 $1.250000000e-01, v24;
	v18 =	vld [tilespmem:s0+$0x10];
	[tilespmem:v21+s22+$0x0] =	vst.idx.msk $0xffff, v14;
	v14 =	vadd.s32 v3, v5;
	v5 =	vmovc v7  }
0x182: {  	s6 =	sadd.s32 $0x2, s6;
	v20 =	vadd.s32 v0, v10;
	v7 =	vmovc v9;
	v9 =	vmov v25;
	v21 =	vmul.f32 $1.250000000e-01, v26;
	v15 =	vld [tilespmem:s31+$0x20];
	[tilespmem:v27+s22+$0x0] =	vst.idx.msk $0xffff, v23  }
0x183: {  	v23 =	vmov s7;
	v24 =	vld [tilespmem:s23+$0xFFFFFFC0]  }
0x184: {  	v23 =	vand.u32 $0x7E, v23  }
0x185: {  	v25 =	vadd.s32 v0, v23;
	_ =	sdelay $0x1  }
0x186: {  	v19 =	vmul.f32 $1.250000000e-01, v19  }
0x187: {  	[tilespmem:v17+s22+$0x0] =	vst.idx.msk $0xffff, v22;
	v62 =	vmul.f32 $1.250000000e-01, v24  }
0x188: {  	v22 =	vld [tilespmem:s0+$0xFFFFFFD0];
	[tilespmem:v20+s22+$0x0] =	vst.idx.msk $0xffff, v19  }
0x189: {  	v63 =	vadd.s32 v1, v8;
	v20 =	vld [tilespmem:s1+$0x10];
	[tilespmem:v25+s22+$0x0] =	vst.idx.msk $0xffff, v62  }
0x18a: {  	v28 =	vadd.s32 v1, v9;
	v29 =	vld [tilespmem:s1+$0xFFFFFFD0]  }
0x18b: {  	v30 =	vadd.s32 v1, v10  }
0x18c: {  	v26 =	vadd.s32 v1, v23;
	v18 =	vmul.f32 $1.250000000e-01, v18  }
0x18d: {  	[tilespmem:v16+s22+$0x0] =	vst.idx.msk $0xffff, v21;
	v31 =	vmul.f32 $1.250000000e-01, v22  }
0x18e: {  	v32 =	vld [tilespmem:s31+$0xFFFFFFE0];
	[tilespmem:v63+s22+$0x0] =	vst.idx.msk $0xffff, v18;
	v33 =	vmul.f32 $1.250000000e-01, v20  }
0x18f: {  	v34 =	vadd.s32 v2, v6;
	v35 =	vld [tilespmem:s0+$0x20];
	[tilespmem:v28+s22+$0x0] =	vst.idx.msk $0xffff, v31;
	v36 =	vmul.f32 $1.250000000e-01, v29  }
0x190: {  	v11 =	vmul.f32 $1.250000000e-01, v11;
	v37 =	vadd.s32 v2, v7;
	v38 =	vld [tilespmem:s0+$0xFFFFFFE0];
	[tilespmem:v30+s22+$0x0] =	vst.idx.msk $0xffff, v33  }
0x191: {  	v39 =	vadd.s32 v2, v8;
	v12 =	vmul.f32 $1.250000000e-01, v12;
	v40 =	vld [tilespmem:s1+$0x20];
	[tilespmem:v26+s22+$0x0] =	vst.idx.msk $0xffff, v36  }
0x192: {  	v42 =	vadd.s32 v2, v9;
	[tilespmem:v13+s22+$0x0] =	vst.idx.msk $0xffff, v11;
	v41 =	vmul.f32 $1.250000000e-01, v15;
	v43 =	vld [tilespmem:s1+$0xFFFFFFE0]  }
0x193: {  	v44 =	vld [tilespmem:s28+$0x30];
	v46 =	vadd.s32 v2, v10;
	[tilespmem:v14+s22+$0x0] =	vst.idx.msk $0xffff, v12;
	v45 =	vmul.f32 $1.250000000e-01, v32  }
0x194: {  	v49 =	vadd.s32 v2, v23;
	v47 =	vld [tilespmem:s28+$0xFFFFFFF0];
	[tilespmem:v34+s22+$0x0] =	vst.idx.msk $0xffff, v41;
	v48 =	vmul.f32 $1.250000000e-01, v35  }
0x195: {  	v4 =	vadd.s32 v3, v4;
	[tilespmem:v37+s22+$0x0] =	vst.idx.msk $0xffff, v45;
	v20 =	vld [tilespmem:s31+$0x30];
	v50 =	vmul.f32 $1.250000000e-01, v38  }
0x196: {  	v5 =	vadd.s32 v3, v5;
	v51 =	vld [tilespmem:s31+$0xFFFFFFF0];
	[tilespmem:v39+s22+$0x0] =	vst.idx.msk $0xffff, v48;
	v52 =	vmul.f32 $1.250000000e-01, v40  }
0x197: {  	v53 =	vadd.s32 v3, v6;
	v54 =	vld [tilespmem:s0+$0x30];
	[tilespmem:v42+s22+$0x0] =	vst.idx.msk $0xffff, v50;
	v55 =	vmul.f32 $1.250000000e-01, v43  }
0x198: {  	v57 =	vadd.s32 v3, v7;
	v56 =	vmul.f32 $1.250000000e-01, v44;
	v58 =	vld [tilespmem:s0+$0xFFFFFFF0];
	[tilespmem:v46+s22+$0x0] =	vst.idx.msk $0xffff, v52  }
0x199: {  	v60 =	vadd.s32 v3, v8;
	v59 =	vmul.f32 $1.250000000e-01, v47;
	v14 =	vld [tilespmem:s1+$0x30];
	[tilespmem:v49+s22+$0x0] =	vst.idx.msk $0xffff, v55  }
0x19a: {  	v61 =	vadd.s32 v3, v9;
	[tilespmem:v4+s22+$0x0] =	vst.idx.msk $0xffff, v56;
	v4 =	vmul.f32 $1.250000000e-01, v20;
	v12 =	vld [tilespmem:s1+$0xFFFFFFF0]  }
0x19b: {  	v62 =	vadd.s32 v3, v10;
	[tilespmem:v5+s22+$0x0] =	vst.idx.msk $0xffff, v59;
	v5 =	vmul.f32 $1.250000000e-01, v51  }
0x19c: {  	v63 =	vadd.s32 v3, v23;
	[tilespmem:v53+s22+$0x0] =	vst.idx.msk $0xffff, v4;
	v4 =	vmul.f32 $1.250000000e-01, v54  }
0x19d: {  	[tilespmem:v57+s22+$0x0] =	vst.idx.msk $0xffff, v5;
	v5 =	vmul.f32 $1.250000000e-01, v58  }
0x19e: {  	[tilespmem:v60+s22+$0x0] =	vst.idx.msk $0xffff, v4;
	v4 =	vmul.f32 $1.250000000e-01, v14  }
0x19f: {  	[tilespmem:v61+s22+$0x0] =	vst.idx.msk $0xffff, v5;
	v5 =	vmul.f32 $1.250000000e-01, v12  }
0x1a0: {  	[tilespmem:v62+s22+$0x0] =	vst.idx.msk $0xffff, v4  }
0x1a1: {  	s0 =	sadd.s32 s2, s14;
	[tilespmem:v63+s22+$0x0] =	vst.idx.msk $0xffff, v5  }
0x1a2: {  	[hbm4b:s0+s3] =	stream.linear.scatter [tilespmem:s22], [sflag:$0x4], $0x80, $0x38;
	[tilespmem:$0xE800] =	vst v63  }
0x1a3: {  	s6 =	simm.s32 $0xC688;
	s31 =	sadd.s32 $0x10, s0  }
0x1a4: {  	[hbm4b:s31+s3] =	stream.linear.scatter [tilespmem:s6], [sflag:$0x4], $0x80, $0x38;
	[tilespmem:$0xE800] =	vst v63  }
0x1a5: {  	s7 =	simm.s32 $0xC710;
	s6 =	sadd.s32 $0x20, s0  }
0x1a6: {  	[hbm4b:s6+s3] =	stream.linear.scatter [tilespmem:s7], [sflag:$0x4], $0x80, $0x38;
	[tilespmem:$0xE800] =	vst v63  }
0x1a7: {  	s23 =	simm.s32 $0xC798;
	s8 =	sadd.s32 $0x30, s0  }
0x1a8: {  	[hbm4b:s8+s3] =	stream.linear.scatter [tilespmem:s23], [sflag:$0x4], $0x80, $0x38;
	[tilespmem:$0xE800] =	vst v63  }
0x1a9: {  	s28 =	sadd.s32 $0x40, s0;
	s31 =	simm.s32 $0xC820  }
0x1aa: {  	[hbm4b:s28+s3] =	stream.linear.scatter [tilespmem:s31], [sflag:$0x4], $0x80, $0x38;
	[tilespmem:$0xE800] =	vst v63  }
0x1ab: {  	s6 =	sadd.s32 $0x50, s0;
	s7 =	simm.s32 $0xC8A8  }
0x1ac: {  	[hbm4b:s6+s3] =	stream.linear.scatter [tilespmem:s7], [sflag:$0x4], $0x80, $0x38;
	[tilespmem:$0xE800] =	vst v63  }
0x1ad: {  	s8 =	sadd.s32 $0x60, s0;
	s23 =	simm.s32 $0xC930  }
0x1ae: {  	[hbm4b:s8+s3] =	stream.linear.scatter [tilespmem:s23], [sflag:$0x4], $0x80, $0x38;
	[tilespmem:$0xE800] =	vst v63  }
0x1af: {  	s0 =	sadd.s32 $0x70, s0;
	s28 =	simm.s32 $0xC9B8  }
0x1b0: {  	[hbm4b:s0+s3] =	stream.linear.scatter [tilespmem:s28], [sflag:$0x4], $0x80, $0x38;
	[tilespmem:$0xE800] =	vst v63  }
0x1b1: {  	s31 =	simm.s32 $0xCA40;
	s0 =	sadd.s32 s2, s15  }
0x1b2: {  	[hbm4b:s0+s3] =	stream.linear.scatter [tilespmem:s31], [sflag:$0x4], $0x80, $0x38;
	[tilespmem:$0xE800] =	vst v63  }
0x1b3: {  	s7 =	simm.s32 $0xCAC8;
	s6 =	sadd.s32 $0x10, s0  }
0x1b4: {  	[hbm4b:s6+s3] =	stream.linear.scatter [tilespmem:s7], [sflag:$0x4], $0x80, $0x38;
	[tilespmem:$0xE800] =	vst v63  }
0x1b5: {  	s23 =	simm.s32 $0xCB50;
	s8 =	sadd.s32 $0x20, s0  }
0x1b6: {  	[hbm4b:s8+s3] =	stream.linear.scatter [tilespmem:s23], [sflag:$0x4], $0x80, $0x38;
	[tilespmem:$0xE800] =	vst v63  }
0x1b7: {  	s28 =	sadd.s32 $0x30, s0;
	s31 =	simm.s32 $0xCBD8  }
0x1b8: {  	[hbm4b:s28+s3] =	stream.linear.scatter [tilespmem:s31], [sflag:$0x4], $0x80, $0x38;
	[tilespmem:$0xE800] =	vst v63  }
0x1b9: {  	s6 =	sadd.s32 $0x40, s0;
	s7 =	simm.s32 $0xCC60  }
0x1ba: {  	[hbm4b:s6+s3] =	stream.linear.scatter [tilespmem:s7], [sflag:$0x4], $0x80, $0x38;
	[tilespmem:$0xE800] =	vst v63  }
0x1bb: {  	s8 =	sadd.s32 $0x50, s0;
	s23 =	simm.s32 $0xCCE8  }
0x1bc: {  	[hbm4b:s8+s3] =	stream.linear.scatter [tilespmem:s23], [sflag:$0x4], $0x80, $0x38;
	[tilespmem:$0xE800] =	vst v63  }
0x1bd: {  	s28 =	sadd.s32 $0x60, s0;
	s31 =	simm.s32 $0xCD70  }
0x1be: {  	[hbm4b:s28+s3] =	stream.linear.scatter [tilespmem:s31], [sflag:$0x4], $0x80, $0x38;
	[tilespmem:$0xE800] =	vst v63  }
0x1bf: {  	s0 =	sadd.s32 $0x70, s0;
	s6 =	simm.s32 $0xCDF8  }
0x1c0: {  	[hbm4b:s0+s3] =	stream.linear.scatter [tilespmem:s6], [sflag:$0x4], $0x80, $0x38;
	[tilespmem:$0xE800] =	vst v63  }
0x1c1: {  	s7 =	simm.s32 $0xCE80;
	s0 =	sadd.s32 s2, s16  }
0x1c2: {  	[hbm4b:s0+s3] =	stream.linear.scatter [tilespmem:s7], [sflag:$0x4], $0x80, $0x38;
	[tilespmem:$0xE800] =	vst v63  }
0x1c3: {  	s23 =	simm.s32 $0xCF08;
	s8 =	sadd.s32 $0x10, s0  }
0x1c4: {  	[hbm4b:s8+s3] =	stream.linear.scatter [tilespmem:s23], [sflag:$0x4], $0x80, $0x38;
	[tilespmem:$0xE800] =	vst v63  }
0x1c5: {  	s31 =	simm.s32 $0xCF90;
	s28 =	sadd.s32 $0x20, s0  }
0x1c6: {  	[hbm4b:s28+s3] =	stream.linear.scatter [tilespmem:s31], [sflag:$0x4], $0x80, $0x38;
	[tilespmem:$0xE800] =	vst v63  }
0x1c7: {  	s6 =	sadd.s32 $0x30, s0;
	s7 =	simm.s32 $0xD018  }
0x1c8: {  	[hbm4b:s6+s3] =	stream.linear.scatter [tilespmem:s7], [sflag:$0x4], $0x80, $0x38;
	[tilespmem:$0xE800] =	vst v63  }
0x1c9: {  	s8 =	sadd.s32 $0x40, s0;
	s23 =	simm.s32 $0xD0A0  }
0x1ca: {  	[hbm4b:s8+s3] =	stream.linear.scatter [tilespmem:s23], [sflag:$0x4], $0x80, $0x38;
	[tilespmem:$0xE800] =	vst v63  }
0x1cb: {  	s28 =	sadd.s32 $0x50, s0;
	s31 =	simm.s32 $0xD128  }
0x1cc: {  	[hbm4b:s28+s3] =	stream.linear.scatter [tilespmem:s31], [sflag:$0x4], $0x80, $0x38;
	[tilespmem:$0xE800] =	vst v63  }
0x1cd: {  	s6 =	sadd.s32 $0x60, s0;
	s7 =	simm.s32 $0xD1B0  }
0x1ce: {  	[hbm4b:s6+s3] =	stream.linear.scatter [tilespmem:s7], [sflag:$0x4], $0x80, $0x38;
	[tilespmem:$0xE800] =	vst v63  }
0x1cf: {  	s0 =	sadd.s32 $0x70, s0;
	s8 =	simm.s32 $0xD238  }
0x1d0: {  	[hbm4b:s0+s3] =	stream.linear.scatter [tilespmem:s8], [sflag:$0x4], $0x80, $0x38;
	[tilespmem:$0xE800] =	vst v63  }
0x1d1: {  	s23 =	simm.s32 $0xD2C0;
	s0 =	sadd.s32 s2, s17  }
0x1d2: {  	[hbm4b:s0+s3] =	stream.linear.scatter [tilespmem:s23], [sflag:$0x4], $0x80, $0x38;
	[tilespmem:$0xE800] =	vst v63  }
0x1d3: {  	s31 =	simm.s32 $0xD348;
	s28 =	sadd.s32 $0x10, s0  }
0x1d4: {  	[hbm4b:s28+s3] =	stream.linear.scatter [tilespmem:s31], [sflag:$0x4], $0x80, $0x38;
	[tilespmem:$0xE800] =	vst v63  }
0x1d5: {  	s7 =	simm.s32 $0xD3D0;
	s6 =	sadd.s32 $0x20, s0  }
0x1d6: {  	[hbm4b:s6+s3] =	stream.linear.scatter [tilespmem:s7], [sflag:$0x4], $0x80, $0x38;
	[tilespmem:$0xE800] =	vst v63  }
0x1d7: {  	s8 =	sadd.s32 $0x30, s0;
	s23 =	simm.s32 $0xD458  }
0x1d8: {  	[hbm4b:s8+s3] =	stream.linear.scatter [tilespmem:s23], [sflag:$0x4], $0x80, $0x38;
	[tilespmem:$0xE800] =	vst v63  }
0x1d9: {  	s28 =	sadd.s32 $0x40, s0;
	s31 =	simm.s32 $0xD4E0  }
0x1da: {  	[hbm4b:s28+s3] =	stream.linear.scatter [tilespmem:s31], [sflag:$0x4], $0x80, $0x38;
	[tilespmem:$0xE800] =	vst v63  }
0x1db: {  	s6 =	sadd.s32 $0x50, s0;
	s7 =	simm.s32 $0xD568  }
0x1dc: {  	[hbm4b:s6+s3] =	stream.linear.scatter [tilespmem:s7], [sflag:$0x4], $0x80, $0x38;
	[tilespmem:$0xE800] =	vst v63  }
0x1dd: {  	s8 =	sadd.s32 $0x60, s0;
	s23 =	simm.s32 $0xD5F0  }
0x1de: {  	[hbm4b:s8+s3] =	stream.linear.scatter [tilespmem:s23], [sflag:$0x4], $0x80, $0x38;
	[tilespmem:$0xE800] =	vst v63  }
0x1df: {  	s0 =	sadd.s32 $0x70, s0;
	s28 =	simm.s32 $0xD678  }
0x1e0: {  	[hbm4b:s0+s3] =	stream.linear.scatter [tilespmem:s28], [sflag:$0x4], $0x80, $0x38;
	[tilespmem:$0xE800] =	vst v63  }
0x1e1: {  	s31 =	simm.s32 $0xD700;
	s0 =	sadd.s32 s2, s18  }
0x1e2: {  	[hbm4b:s0+s3] =	stream.linear.scatter [tilespmem:s31], [sflag:$0x4], $0x80, $0x38;
	[tilespmem:$0xE800] =	vst v63  }
0x1e3: {  	s7 =	simm.s32 $0xD788;
	s6 =	sadd.s32 $0x10, s0  }
0x1e4: {  	[hbm4b:s6+s3] =	stream.linear.scatter [tilespmem:s7], [sflag:$0x4], $0x80, $0x38;
	[tilespmem:$0xE800] =	vst v63  }
0x1e5: {  	s23 =	simm.s32 $0xD810;
	s8 =	sadd.s32 $0x20, s0  }
0x1e6: {  	[hbm4b:s8+s3] =	stream.linear.scatter [tilespmem:s23], [sflag:$0x4], $0x80, $0x38;
	[tilespmem:$0xE800] =	vst v63  }
0x1e7: {  	s28 =	sadd.s32 $0x30, s0;
	s31 =	simm.s32 $0xD898  }
0x1e8: {  	[hbm4b:s28+s3] =	stream.linear.scatter [tilespmem:s31], [sflag:$0x4], $0x80, $0x38;
	[tilespmem:$0xE800] =	vst v63  }
0x1e9: {  	s6 =	sadd.s32 $0x40, s0;
	s7 =	simm.s32 $0xD920  }
0x1ea: {  	[hbm4b:s6+s3] =	stream.linear.scatter [tilespmem:s7], [sflag:$0x4], $0x80, $0x38;
	[tilespmem:$0xE800] =	vst v63  }
0x1eb: {  	s8 =	sadd.s32 $0x50, s0;
	s23 =	simm.s32 $0xD9A8  }
0x1ec: {  	[hbm4b:s8+s3] =	stream.linear.scatter [tilespmem:s23], [sflag:$0x4], $0x80, $0x38;
	[tilespmem:$0xE800] =	vst v63  }
0x1ed: {  	s28 =	sadd.s32 $0x60, s0;
	s31 =	simm.s32 $0xDA30  }
0x1ee: {  	[hbm4b:s28+s3] =	stream.linear.scatter [tilespmem:s31], [sflag:$0x4], $0x80, $0x38;
	[tilespmem:$0xE800] =	vst v63  }
0x1ef: {  	s0 =	sadd.s32 $0x70, s0;
	s6 =	simm.s32 $0xDAB8  }
0x1f0: {  	[hbm4b:s0+s3] =	stream.linear.scatter [tilespmem:s6], [sflag:$0x4], $0x80, $0x38;
	[tilespmem:$0xE800] =	vst v63  }
0x1f1: {  	s7 =	simm.s32 $0xDB40;
	s0 =	sadd.s32 s2, s19  }
0x1f2: {  	[hbm4b:s0+s3] =	stream.linear.scatter [tilespmem:s7], [sflag:$0x4], $0x80, $0x38;
	[tilespmem:$0xE800] =	vst v63  }
0x1f3: {  	s23 =	simm.s32 $0xDBC8;
	s8 =	sadd.s32 $0x10, s0  }
0x1f4: {  	[hbm4b:s8+s3] =	stream.linear.scatter [tilespmem:s23], [sflag:$0x4], $0x80, $0x38;
	[tilespmem:$0xE800] =	vst v63  }
0x1f5: {  	s31 =	simm.s32 $0xDC50;
	s28 =	sadd.s32 $0x20, s0  }
0x1f6: {  	[hbm4b:s28+s3] =	stream.linear.scatter [tilespmem:s31], [sflag:$0x4], $0x80, $0x38;
	[tilespmem:$0xE800] =	vst v63  }
0x1f7: {  	s6 =	sadd.s32 $0x30, s0;
	s7 =	simm.s32 $0xDCD8  }
0x1f8: {  	[hbm4b:s6+s3] =	stream.linear.scatter [tilespmem:s7], [sflag:$0x4], $0x80, $0x38;
	[tilespmem:$0xE800] =	vst v63  }
0x1f9: {  	s8 =	sadd.s32 $0x40, s0;
	s23 =	simm.s32 $0xDD60  }
0x1fa: {  	[hbm4b:s8+s3] =	stream.linear.scatter [tilespmem:s23], [sflag:$0x4], $0x80, $0x38;
	[tilespmem:$0xE800] =	vst v63  }
0x1fb: {  	s28 =	sadd.s32 $0x50, s0;
	s31 =	simm.s32 $0xDDE8  }
0x1fc: {  	[hbm4b:s28+s3] =	stream.linear.scatter [tilespmem:s31], [sflag:$0x4], $0x80, $0x38;
	[tilespmem:$0xE800] =	vst v63  }
0x1fd: {  	s6 =	sadd.s32 $0x60, s0;
	s7 =	simm.s32 $0xDE70  }
0x1fe: {  	[hbm4b:s6+s3] =	stream.linear.scatter [tilespmem:s7], [sflag:$0x4], $0x80, $0x38;
	[tilespmem:$0xE800] =	vst v63  }
0x1ff: {  	s0 =	sadd.s32 $0x70, s0;
	s8 =	simm.s32 $0xDEF8  }
0x200: {  	[hbm4b:s0+s3] =	stream.linear.scatter [tilespmem:s8], [sflag:$0x4], $0x80, $0x38;
	[tilespmem:$0xE800] =	vst v63  }
0x201: {  	s23 =	simm.s32 $0xDF80;
	s0 =	sadd.s32 s2, s20  }
0x202: {  	[hbm4b:s0+s3] =	stream.linear.scatter [tilespmem:s23], [sflag:$0x4], $0x80, $0x38;
	[tilespmem:$0xE800] =	vst v63  }
0x203: {  	s31 =	simm.s32 $0xE008;
	s28 =	sadd.s32 $0x10, s0  }
0x204: {  	[hbm4b:s28+s3] =	stream.linear.scatter [tilespmem:s31], [sflag:$0x4], $0x80, $0x38;
	[tilespmem:$0xE800] =	vst v63  }
0x205: {  	s7 =	simm.s32 $0xE090;
	s6 =	sadd.s32 $0x20, s0  }
0x206: {  	[hbm4b:s6+s3] =	stream.linear.scatter [tilespmem:s7], [sflag:$0x4], $0x80, $0x38;
	[tilespmem:$0xE800] =	vst v63  }
0x207: {  	s8 =	sadd.s32 $0x30, s0;
	s23 =	simm.s32 $0xE118  }
0x208: {  	[hbm4b:s8+s3] =	stream.linear.scatter [tilespmem:s23], [sflag:$0x4], $0x80, $0x38;
	[tilespmem:$0xE800] =	vst v63  }
0x209: {  	s28 =	sadd.s32 $0x40, s0;
	s31 =	simm.s32 $0xE1A0  }
0x20a: {  	[hbm4b:s28+s3] =	stream.linear.scatter [tilespmem:s31], [sflag:$0x4], $0x80, $0x38;
	[tilespmem:$0xE800] =	vst v63  }
0x20b: {  	s7 =	sadd.s32 $0x50, s0;
	s8 =	simm.s32 $0xE228  }
0x20c: {  	[hbm4b:s7+s3] =	stream.linear.scatter [tilespmem:s8], [sflag:$0x4], $0x80, $0x38;
	[tilespmem:$0xE800] =	vst v63  }
0x20d: {  	s23 =	sadd.s32 $0x60, s0;
	s28 =	simm.s32 $0xE2B0  }
0x20e: {  	[hbm4b:s23+s3] =	stream.linear.scatter [tilespmem:s28], [sflag:$0x4], $0x80, $0x38;
	[tilespmem:$0xE800] =	vst v63  }
0x20f: {  	s0 =	sadd.s32 $0x70, s0;
	s31 =	simm.s32 $0xE338  }
0x210: {  	[hbm4b:s0+s3] =	stream.linear.scatter [tilespmem:s31], [sflag:$0x4], $0x80, $0x38;
	[tilespmem:$0xE800] =	vst v63  }
0x211: {  	s0 =	sadd.s32 s2, s21;
	s2 =	simm.s32 $0xE3C0  }
0x212: {  	[hbm4b:s0+s3] =	stream.linear.scatter [tilespmem:s2], [sflag:$0x4], $0x80, $0x38;
	[tilespmem:$0xE800] =	vst v63  }
0x213: {  	s7 =	simm.s32 $0xE448;
	s6 =	sadd.s32 $0x10, s0  }
0x214: {  	[hbm4b:s6+s3] =	stream.linear.scatter [tilespmem:s7], [sflag:$0x4], $0x80, $0x38;
	[tilespmem:$0xE800] =	vst v63  }
0x215: {  	s23 =	simm.s32 $0xE4D0;
	s8 =	sadd.s32 $0x20, s0  }
0x216: {  	[hbm4b:s8+s3] =	stream.linear.scatter [tilespmem:s23], [sflag:$0x4], $0x80, $0x38;
	[tilespmem:$0xE800] =	vst v63  }
0x217: {  	s31 =	simm.s32 $0xE558;
	s28 =	sadd.s32 $0x30, s0  }
0x218: {  	[hbm4b:s28+s3] =	stream.linear.scatter [tilespmem:s31], [sflag:$0x4], $0x80, $0x38;
	[tilespmem:$0xE800] =	vst v63  }
0x219: {  	s2 =	sadd.s32 $0x40, s0;
	s6 =	simm.s32 $0xE5E0  }
0x21a: {  	[hbm4b:s2+s3] =	stream.linear.scatter [tilespmem:s6], [sflag:$0x4], $0x80, $0x38;
	[tilespmem:$0xE800] =	vst v63  }
0x21b: {  	p0 =	seq.s32 s25, $0x63;
	s7 =	sadd.s32 $0x50, s0;
	s8 =	simm.s32 $0xE668  }
0x21c: {  	[hbm4b:s7+s3] =	stream.linear.scatter [tilespmem:s8], [sflag:$0x4], $0x80, $0x38;
	[tilespmem:$0xE800] =	vst v63  }
.Ltmp7:
0x21d: {  	_ = 	snop;
	(pc) =	sbr.rel @p0 .LBB2_12-.Ltmp7, $4  }
0x21e: {  	s23 =	sadd.s32 $0x60, s0;
	s28 =	simm.s32 $0xE6F0  }
0x21f: {  	[hbm4b:s23+s3] =	stream.linear.scatter [tilespmem:s28], [sflag:$0x4], $0x80, $0x38;
	[tilespmem:$0xE800] =	vst v63  }
0x220: {  	s0 =	sadd.s32 $0x70, s0;
	s31 =	simm.s32 $0xE778  }
0x221: {  	[hbm4b:s0+s3] =	stream.linear.scatter [tilespmem:s31], [sflag:$0x4], $0x80, $0x38;
	[tilespmem:$0xE800] =	vst v63  }
.Ltmp8:
0x222: {  	(pc) =	sbr.rel .LBB2_2-.Ltmp8, $4  }
0x223: {  	_ = 	snop  }
0x224: {  	s0 =	sshrl.u32 s26, $0x2;
	s1 =	simm.s32 $0x80  }
0x225: {  	s2 =	simm.s32 $0x8400;
	s25 =	sadd.s32 $0x1, s25;
	s0 =	sadd.s32 $0x180, s0  }
0x226: {  	[tilespmem:s2], [sflag:$0x2] =	stream.indirect.gather [hbm4b:s4+s1], $0x40, s0, s1, $0xb8;
	[tilespmem:$0xE800] =	vst v63  }
.LBB2_13:
0x227: {  	_ =	sfence.sel $0x180000  }
0x228: {  	[bflag:$0x0] =	sbarrier.arrive $0xFFFF  }
0x229: {  	_ =	strace $0x90000047  }
0x22a: {  	s0 =	stileid.u32;
	[bflag:$0x2] =	sbarrier.arrive $0xFFFF  }
0x22b: {  	p0 =	sne.s32 s0, $0x0;
	s0 =	rddreg [dreg:$0x2]  }
0x22c: {  	s0 =	sadd.s32 @!p0 $0x100000, s0  }
0x22d: {  	[sflag:s0] =	ssyncadd.tile.s32 @!p0 $0x1;
	_ =	shalt  }
.Lfunc_end2:
_tile_overlayer_lowered:
.L_overlay_start_2:
0x22e: {  	(tag) =	ssettag $0x2  }
0x22f: {  	s0 =	rddreg [dreg:$0x0];
	s2 =	stileid.u32  }
0x230: {  	s1 =	rddreg [dreg:$0x1];
	p0 =	sne.s32 s2, $0x0  }
0x231: {  	s3 =	rddreg [dreg:$0x2];
	[bflag:$0x3] =	sbarrier.arrive $0xFFFF;
	s2 =	simm.s32 @!p0 $0x1C05  }
0x232: {  	[timem:s3], [sflag:s2] =	dma.local @!p0 [hbm:s0], s1  }
0x233: {  	s0 =	simm.s32 @!p0 $0x5  }
0x234: {  	_ =	swait.ge @!p0 [sflag:s0], s1  }
0x235: {  	s1 =	ssub.s32 @!p0 $0x0, s1;
	[sflag:s0] =	ssyncset.done @!p0 $0x0  }
0x236: {  	[sflag:s0] =	ssyncadd.s32 @!p0 s1  }
0x237: {  	[bflag:$0x3] =	sbarrier.arrive $0xFFFF  }
0x238: {  	_ =	shalt  }

</sc_bundles>
